<compile_context>
chip_gen: v7x
topology: tpu7x:2x2x1
jax: 0.10.2.dev20260603
libtpu: 0.0.44.dev20260713+nightly
codegen_flags: <defaults>
</compile_context>

<pallas_src>
import jax
import jax.numpy as jnp
from jax import lax
from jax.experimental import pallas as pl
from jax.experimental.pallas import tpu as pltpu
from jax.experimental.pallas import tpu_sc as plsc

VOCAB = 1000000
D = 64
B = 16384
HIST = 50
WIDE = 128
NW = 32
BAGS_PER_W = B // NW
GROUP_BAGS = 8
GROUP_IDX = GROUP_BAGS * HIST
GROUPS = BAGS_PER_W // GROUP_BAGS
HALF_BAGS = BAGS_PER_W // 2
LANES = 16
DV = D // LANES
NBUF = 2
UNROLL = 5


def _lane_total(x, scratch):
    lanes = lax.iota(jnp.int32, LANES)
    for s in (8, 4, 2, 1):
        scratch[pl.ds(0, LANES)] = x
        x = x + plsc.load_gather(scratch, [lanes ^ s])
    return x


def _worker_body(table, idx_hbm, ctx_hbm, out_hbm,
                 idx2_v, flat_v, ctx_v, row0_v, rows_v, out_v, red_v,
                 sem0, sem1):
    nc = 2
    wid = lax.axis_index("s") * nc + lax.axis_index("c")
    lanes = lax.iota(jnp.int32, LANES)

    def stage_half(h):
        pltpu.sync_copy(
            idx_hbm.at[pl.ds(wid * BAGS_PER_W + h * HALF_BAGS, HALF_BAGS)],
            idx2_v)

    stage_half(0)
    pltpu.sync_copy(ctx_hbm.at[pl.ds(wid * BAGS_PER_W, BAGS_PER_W)], ctx_v)
    pltpu.sync_copy(table.at[pl.ds(0, 1)], row0_v)

    def flatten_group(g, buf):
        def row_body(r, carry):
            lr = (g * GROUP_BAGS + r) & (HALF_BAGS - 1)
            dst = buf * GROUP_IDX + r * HIST
            for o in (0, LANES, 2 * LANES, HIST - LANES):
                iv = idx2_v[lr, pl.ds(o, LANES)]
                plsc.store_scatter(
                    flat_v, [jnp.full((LANES,), dst + o, jnp.int32) + lanes], iv)
            return carry

        lax.fori_loop(0, GROUP_BAGS, row_body, 0)

    def gather(g, buf, sem):
        flatten_group(g, buf)
        return pltpu.async_copy(
            table.at[flat_v.at[pl.ds(buf * GROUP_IDX, GROUP_IDX)]],
            rows_v.at[buf], sem)

    def wait(buf, sem):
        pltpu.make_async_copy(
            table.at[flat_v.at[pl.ds(0, GROUP_IDX)]],
            rows_v.at[buf], sem).wait()

    r0 = [row0_v[0, pl.ds(j * LANES, LANES)] for j in range(DV)]
    zero = jnp.zeros((LANES,), jnp.float32)

    def process_group(g, buf):
        rows = rows_v.at[buf]

        def bag_body(bb, carry):
            b_local = g * GROUP_BAGS + bb
            base = bb * HIST

            def ent_body(e5, accs):
                a = list(accs)
                for u in range(UNROLL):
                    e = base + e5 * UNROLL + u
                    for j in range(DV):
                        a[j] = a[j] + rows[e, pl.ds(j * LANES, LANES)]
                return tuple(a)

            accs = lax.fori_loop(0, HIST // UNROLL, ent_body,
                                 (zero, zero, zero, zero))
            one = jnp.ones((LANES,), jnp.int32)
            nil = jnp.zeros((LANES,), jnp.int32)
            zc = nil
            for t in range(3):
                iv = flat_v[pl.ds(buf * GROUP_IDX + base + t * LANES, LANES)]
                zc = zc + jnp.where(iv == 0, one, nil)
            iv = flat_v[pl.ds(buf * GROUP_IDX + base + HIST - LANES, LANES)]
            zc = zc + jnp.where((iv == 0) & (lanes >= 4 * LANES - HIST),
                                one, nil)
            zf = _lane_total(zc, red_v).astype(jnp.float32)
            cv = plsc.load_gather(
                ctx_v, [jnp.full((LANES,), b_local, jnp.int32)]
            ).astype(jnp.float32)
            inv = 1.0 / cv
            for j in range(DV):
                out_v[b_local, pl.ds(j * LANES, LANES)] = (accs[j] - zf * r0[j]) * inv
            return carry

        lax.fori_loop(0, GROUP_BAGS, bag_body, 0)

    sems = (sem0, sem1)
    for b in range(NBUF - 1):
        gather(b, b, sems[b])

    def step(k, carry):
        for u in range(NBUF):
            g = NBUF * k + u

            @pl.when(g + NBUF - 1 == GROUPS // 2)
            def _():
                stage_half(1)

            @pl.when(g + NBUF - 1 < GROUPS)
            def _():
                gather(g + NBUF - 1, (u + NBUF - 1) % NBUF,
                       sems[(u + NBUF - 1) % NBUF])

            wait(u, sems[u])
            process_group(g, u)
        return carry

    lax.fori_loop(0, GROUPS // NBUF, step, 0)

    pltpu.sync_copy(out_v, out_hbm.at[pl.ds(wid * BAGS_PER_W, BAGS_PER_W)])


@jax.jit
def _cbow_sc(table, idx, ctx):
    mesh = plsc.VectorSubcoreMesh(core_axis_name="c", subcore_axis_name="s")
    f = pl.kernel(
        _worker_body,
        out_type=jax.ShapeDtypeStruct((B, D), jnp.float32),
        mesh=mesh,
        scratch_types=[
            pltpu.VMEM((HALF_BAGS, WIDE), jnp.int32),
            pltpu.VMEM((NBUF * GROUP_IDX,), jnp.int32),
            pltpu.VMEM((BAGS_PER_W,), jnp.int32),
            pltpu.VMEM((1, D), jnp.float32),
            pltpu.VMEM((NBUF, GROUP_IDX, D), jnp.float32),
            pltpu.VMEM((BAGS_PER_W, D), jnp.float32),
            pltpu.VMEM((LANES,), jnp.int32),
            pltpu.SemaphoreType.DMA,
            pltpu.SemaphoreType.DMA,
        ],
        compiler_params=pltpu.CompilerParams(
            needs_layout_passes=False, use_tc_tiling_on_sc=False
        ),
    )
    return f(table, idx, ctx)


def kernel(embedding, bow, context_size):
    idx = jnp.pad(bow.astype(jnp.int32), ((0, 0), (0, WIDE - HIST)))
    return _cbow_sc(embedding, idx, context_size.astype(jnp.int32))

# --- scband reference (transcript-rebuilt; emitter-appended) ---
"""Pipeline reference for scband-cbow-nn-68229850464687 (READ-ONLY COPY).

The authoritative reference and input builder live on the scoring server;
editing this copy changes nothing except your own understanding.
"""

import jax, jax.numpy as jnp
import numpy as np

VOCAB = 1000000
EMBED_DIM = 64
BATCH = 16384
HIST = 50

def setup_inputs(seed: int = 0) -> dict:
    key = jax.random.key(seed)
    k_emb, k_bow = jax.random.split(key, 2)
    embedding = jax.random.normal(k_emb, (VOCAB, EMBED_DIM), dtype=jnp.float32) * 0.05
    bow = jax.random.randint(k_bow, (BATCH, HIST), 0, VOCAB, dtype=jnp.int64)
    context_size = jnp.ones((BATCH,), dtype=jnp.int32)
    return {"embedding": embedding, "bow": bow, "context_size": context_size}

def reference(embedding, bow, context_size):
    # padding row 0 is zeroed before lookup (tensor_scatter_nd_update in TF)
    emb = embedding.at[0].set(jnp.zeros((EMBED_DIM,), dtype=jnp.float32))
    out = jnp.take(emb, bow, axis=0)              # [B, L, D] gather
    out = jnp.sum(out, axis=1)                    # [B, D]
    out = out / context_size.reshape(-1, 1).astype(jnp.float32)
    return out

if __name__ == "__main__":
    import jax
    _d = setup_inputs()
    print(jax.jit(kernel)(*tuple(_d.values())))

</pallas_src>

<mosaic_0001>
#map = affine_map<(d0, d1) -> (0, 0)>
#map1 = affine_map<(d0, d1) -> (0)>
module attributes {stable_mosaic.version = 14 : i64} {
  func.func @_worker_body(%arg0: i32, %arg1: i32, %arg2: memref<1000000x64xf32, #tpu.memory_space<hbm>>, %arg3: memref<16384x128xi32, #tpu.memory_space<hbm>>, %arg4: memref<16384xi32, #tpu.memory_space<hbm>>, %arg5: memref<16384x64xf32, #tpu.memory_space<hbm>>, %arg6: memref<256x128xi32, #tpu.memory_space<vmem>>, %arg7: memref<800xi32, #tpu.memory_space<vmem>>, %arg8: memref<512xi32, #tpu.memory_space<vmem>>, %arg9: memref<1x64xf32, #tpu.memory_space<vmem>>, %arg10: memref<2x400x64xf32, #tpu.memory_space<vmem>>, %arg11: memref<512x64xf32, #tpu.memory_space<vmem>>, %arg12: memref<16xi32, #tpu.memory_space<vmem>>, %arg13: memref<!tpu.dma_semaphore, #tpu.memory_space<semaphore_mem>>, %arg14: memref<!tpu.dma_semaphore, #tpu.memory_space<semaphore_mem>>) attributes {dimension_semantics = [#tpu.dimension_semantics<core_parallel>, #tpu.dimension_semantics<subcore_parallel>], iteration_bounds = array<i64: 2, 16>, scalar_prefetch = 0 : i64, scratch_operands = 9 : i64, tpu.core_type = #tpu.core_type<sc_vector_subcore>, window_params = [{transform_indices = #map}, {transform_indices = #map}, {transform_indices = #map1}, {transform_indices = #map}]} {
    %mul3A = arith.constant 2 : i32
    %mul3A_0 = arith.muli %arg1, %mul3A : i32
    %add3A = arith.addi %mul3A_0, %arg0 : i32
    %iota3A = tpu.iota {dimensions = array<i32: 0>} : vector<16xi32>
    %mul3A_1 = arith.constant 512 : i32
    %mul3A_2 = arith.muli %add3A, %mul3A_1 : i32
    %add3A_3 = arith.constant 0 : i32
    %add3A_4 = arith.addi %mul3A_2, %add3A_3 : i32
    "tpu.region"() ({
      %run_scoped3A = tpu.sem_alloc : memref<!tpu.dma_semaphore, #tpu.memory_space<semaphore_mem>>
      %dma_start3A_45 = arith.constant 0 : i32
      %dma_start3A_46 = tpu.memref_slice %arg3[%add3A_4, %dma_start3A_45] : memref<16384x128xi32, #tpu.memory_space<hbm>> -> memref<256x128xi32, #tpu.memory_space<hbm>>
      %dma_start3A_47 = arith.constant 0 : i32
      %dma_start3A_48 = tpu.memref_slice %arg3[%add3A_4, %dma_start3A_47] : memref<16384x128xi32, #tpu.memory_space<hbm>> -> memref<256x128xi32, #tpu.memory_space<hbm>>
      tpu.enqueue_dma source(%dma_start3A_48 : memref<256x128xi32, #tpu.memory_space<hbm>>) target(%arg6 : memref<256x128xi32, #tpu.memory_space<vmem>>) target_semaphore(%run_scoped3A : memref<!tpu.dma_semaphore, #tpu.memory_space<semaphore_mem>>)
      %dma_wait3A = arith.constant 0 : i32
      %dma_wait3A_49 = tpu.memref_slice %arg3[%add3A_4, %dma_wait3A] : memref<16384x128xi32, #tpu.memory_space<hbm>> -> memref<256x128xi32, #tpu.memory_space<hbm>>
      %dma_wait3A_50 = arith.constant 0 : i32
      %dma_wait3A_51 = tpu.memref_slice %arg3[%add3A_4, %dma_wait3A_50] : memref<16384x128xi32, #tpu.memory_space<hbm>> -> memref<256x128xi32, #tpu.memory_space<hbm>>
      tpu.wait_dma2 semaphore(%run_scoped3A : memref<!tpu.dma_semaphore, #tpu.memory_space<semaphore_mem>>) src(%dma_wait3A_51 : memref<256x128xi32, #tpu.memory_space<hbm>>) dst(%arg6 : memref<256x128xi32, #tpu.memory_space<vmem>>)
      tpu.yield
    }) : () -> ()
    %mul3A_5 = arith.constant 512 : i32
    %mul3A_6 = arith.muli %add3A, %mul3A_5 : i32
    "tpu.region"() ({
      %run_scoped3A = tpu.sem_alloc : memref<!tpu.dma_semaphore, #tpu.memory_space<semaphore_mem>>
      %dma_start3A_45 = tpu.memref_slice %arg4[%mul3A_6] : memref<16384xi32, #tpu.memory_space<hbm>> -> memref<512xi32, #tpu.memory_space<hbm>>
      %dma_start3A_46 = tpu.memref_slice %arg4[%mul3A_6] : memref<16384xi32, #tpu.memory_space<hbm>> -> memref<512xi32, #tpu.memory_space<hbm>>
      tpu.enqueue_dma source(%dma_start3A_46 : memref<512xi32, #tpu.memory_space<hbm>>) target(%arg8 : memref<512xi32, #tpu.memory_space<vmem>>) target_semaphore(%run_scoped3A : memref<!tpu.dma_semaphore, #tpu.memory_space<semaphore_mem>>)
      %dma_wait3A = tpu.memref_slice %arg4[%mul3A_6] : memref<16384xi32, #tpu.memory_space<hbm>> -> memref<512xi32, #tpu.memory_space<hbm>>
      %dma_wait3A_47 = tpu.memref_slice %arg4[%mul3A_6] : memref<16384xi32, #tpu.memory_space<hbm>> -> memref<512xi32, #tpu.memory_space<hbm>>
      tpu.wait_dma2 semaphore(%run_scoped3A : memref<!tpu.dma_semaphore, #tpu.memory_space<semaphore_mem>>) src(%dma_wait3A_47 : memref<512xi32, #tpu.memory_space<hbm>>) dst(%arg8 : memref<512xi32, #tpu.memory_space<vmem>>)
      tpu.yield
    }) : () -> ()
    "tpu.region"() ({
      %run_scoped3A = tpu.sem_alloc : memref<!tpu.dma_semaphore, #tpu.memory_space<semaphore_mem>>
      %dma_start3A_45 = arith.constant 0 : i32
      %dma_start3A_46 = arith.constant 0 : i32
      %dma_start3A_47 = tpu.memref_slice %arg2[%dma_start3A_45, %dma_start3A_46] : memref<1000000x64xf32, #tpu.memory_space<hbm>> -> memref<1x64xf32, #tpu.memory_space<hbm>>
      %dma_start3A_48 = arith.constant 0 : i32
      %dma_start3A_49 = arith.constant 0 : i32
      %dma_start3A_50 = tpu.memref_slice %arg2[%dma_start3A_48, %dma_start3A_49] : memref<1000000x64xf32, #tpu.memory_space<hbm>> -> memref<1x64xf32, #tpu.memory_space<hbm>>
      tpu.enqueue_dma source(%dma_start3A_50 : memref<1x64xf32, #tpu.memory_space<hbm>>) target(%arg9 : memref<1x64xf32, #tpu.memory_space<vmem>>) target_semaphore(%run_scoped3A : memref<!tpu.dma_semaphore, #tpu.memory_space<semaphore_mem>>)
      %dma_wait3A = arith.constant 0 : i32
      %dma_wait3A_51 = arith.constant 0 : i32
      %dma_wait3A_52 = tpu.memref_slice %arg2[%dma_wait3A, %dma_wait3A_51] : memref<1000000x64xf32, #tpu.memory_space<hbm>> -> memref<1x64xf32, #tpu.memory_space<hbm>>
      %dma_wait3A_53 = arith.constant 0 : i32
      %dma_wait3A_54 = arith.constant 0 : i32
      %dma_wait3A_55 = tpu.memref_slice %arg2[%dma_wait3A_53, %dma_wait3A_54] : memref<1000000x64xf32, #tpu.memory_space<hbm>> -> memref<1x64xf32, #tpu.memory_space<hbm>>
      tpu.wait_dma2 semaphore(%run_scoped3A : memref<!tpu.dma_semaphore, #tpu.memory_space<semaphore_mem>>) src(%dma_wait3A_55 : memref<1x64xf32, #tpu.memory_space<hbm>>) dst(%arg9 : memref<1x64xf32, #tpu.memory_space<vmem>>)
      tpu.yield
    }) : () -> ()
    %get3A = arith.constant 0 : i32
    %get3A_7 = arith.index_cast %get3A : i32 to index
    %get3A_8 = arith.constant 0 : index
    %get3A_9 = tpu.vector_load %arg9[%get3A_7, %get3A_8] {strides = array<i32>} : memref<1x64xf32, #tpu.memory_space<vmem>>, vector<16xf32>,
    %get3A_10 = arith.constant 0 : i32
    %get3A_11 = arith.index_cast %get3A_10 : i32 to index
    %get3A_12 = arith.constant 16 : index
    %get3A_13 = tpu.vector_load %arg9[%get3A_11, %get3A_12] {strides = array<i32>} : memref<1x64xf32, #tpu.memory_space<vmem>>, vector<16xf32>,
    %get3A_14 = arith.constant 0 : i32
    %get3A_15 = arith.index_cast %get3A_14 : i32 to index
    %get3A_16 = arith.constant 32 : index
    %get3A_17 = tpu.vector_load %arg9[%get3A_15, %get3A_16] {strides = array<i32>} : memref<1x64xf32, #tpu.memory_space<vmem>>, vector<16xf32>,
    %get3A_18 = arith.constant 0 : i32
    %get3A_19 = arith.index_cast %get3A_18 : i32 to index
    %get3A_20 = arith.constant 48 : index
    %get3A_21 = tpu.vector_load %arg9[%get3A_19, %get3A_20] {strides = array<i32>} : memref<1x64xf32, #tpu.memory_space<vmem>>, vector<16xf32>,
    %broadcast_in_dim3A = arith.constant 0.000000e+00 : f32
    %broadcast_in_dim3A_22 = vector.broadcast %broadcast_in_dim3A : f32 to vector<16xf32>
    %scan3A = arith.constant 0 : i32
    %scan3A_23 = arith.constant 0 : i32
    %scan3A_24 = arith.constant 8 : i32
    %scan3A_25 = arith.addi %scan3A_23, %scan3A_24 : i32
    %scan3A_26 = arith.constant 1 : i32
    scf.for %scan3A_45 = %scan3A_23 to %scan3A_25 step %scan3A_26  : i32 {
      %add3A_46 = arith.constant 0 : i32
      %add3A_47 = arith.addi %add3A_46, %scan3A_45 : i32
      %and3A = arith.constant 255 : i32
      %and3A_48 = arith.andi %add3A_47, %and3A : i32
      %mul3A_49 = arith.constant 50 : i32
      %mul3A_50 = arith.muli %scan3A_45, %mul3A_49 : i32
      %add3A_51 = arith.constant 0 : i32
      %add3A_52 = arith.addi %add3A_51, %mul3A_50 : i32
      %get3A_53 = arith.index_cast %and3A_48 : i32 to index
      %get3A_54 = arith.constant 0 : index
      %get3A_55 = tpu.vector_load %arg6[%get3A_53, %get3A_54] {strides = array<i32>} : memref<256x128xi32, #tpu.memory_space<vmem>>, vector<16xi32>,
      %add3A_56 = arith.constant 0 : i32
      %add3A_57 = arith.addi %add3A_52, %add3A_56 : i32
      %broadcast_in_dim3A_58 = vector.broadcast %add3A_57 : i32 to vector<16xi32>
      %add3A_59 = arith.addi %broadcast_in_dim3A_58, %iota3A : vector<16xi32>
      tpu.vector_store_idx %arg7[%add3A_59], %get3A_55 : memref<800xi32, #tpu.memory_space<vmem>>[vector<16xi32>], vector<16xi32>,
      %get3A_60 = arith.index_cast %and3A_48 : i32 to index
      %get3A_61 = arith.constant 16 : index
      %get3A_62 = tpu.vector_load %arg6[%get3A_60, %get3A_61] {strides = array<i32>} : memref<256x128xi32, #tpu.memory_space<vmem>>, vector<16xi32>,
      %add3A_63 = arith.constant 16 : i32
      %add3A_64 = arith.addi %add3A_52, %add3A_63 : i32
      %broadcast_in_dim3A_65 = vector.broadcast %add3A_64 : i32 to vector<16xi32>
      %add3A_66 = arith.addi %broadcast_in_dim3A_65, %iota3A : vector<16xi32>
      tpu.vector_store_idx %arg7[%add3A_66], %get3A_62 : memref<800xi32, #tpu.memory_space<vmem>>[vector<16xi32>], vector<16xi32>,
      %get3A_67 = arith.index_cast %and3A_48 : i32 to index
      %get3A_68 = arith.constant 32 : index
      %get3A_69 = tpu.vector_load %arg6[%get3A_67, %get3A_68] {strides = array<i32>} : memref<256x128xi32, #tpu.memory_space<vmem>>, vector<16xi32>,
      %add3A_70 = arith.constant 32 : i32
      %add3A_71 = arith.addi %add3A_52, %add3A_70 : i32
      %broadcast_in_dim3A_72 = vector.broadcast %add3A_71 : i32 to vector<16xi32>
      %add3A_73 = arith.addi %broadcast_in_dim3A_72, %iota3A : vector<16xi32>
      tpu.vector_store_idx %arg7[%add3A_73], %get3A_69 : memref<800xi32, #tpu.memory_space<vmem>>[vector<16xi32>], vector<16xi32>,
      %get3A_74 = arith.index_cast %and3A_48 : i32 to index
      %get3A_75 = arith.constant 34 : index
      %get3A_76 = tpu.vector_load %arg6[%get3A_74, %get3A_75] {strides = array<i32>} : memref<256x128xi32, #tpu.memory_space<vmem>>, vector<16xi32>,
      %add3A_77 = arith.constant 34 : i32
      %add3A_78 = arith.addi %add3A_52, %add3A_77 : i32
      %broadcast_in_dim3A_79 = vector.broadcast %add3A_78 : i32 to vector<16xi32>
      %add3A_80 = arith.addi %broadcast_in_dim3A_79, %iota3A : vector<16xi32>
      tpu.vector_store_idx %arg7[%add3A_80], %get3A_76 : memref<800xi32, #tpu.memory_space<vmem>>[vector<16xi32>], vector<16xi32>,
    }
    %scan3A_27 = arith.constant 8 : i32
    %dma_start3A = arith.constant 0 : i32
    %dma_start3A_28 = arith.constant 0 : i32
    %dma_start3A_29 = arith.constant 0 : i32
    %dma_start3A_30 = tpu.memref_slice %arg10[%dma_start3A, %dma_start3A_28, %dma_start3A_29] : memref<2x400x64xf32, #tpu.memory_space<vmem>> -> memref<1x400x64xf32, #tpu.memory_space<vmem>>
    %dma_start3A_31 = tpu.memref_squeeze %dma_start3A_30 : memref<1x400x64xf32, #tpu.memory_space<vmem>> -> memref<400x64xf32, #tpu.memory_space<vmem>>
    %dma_start3A_32 = arith.constant 0 : i32
    %dma_start3A_33 = tpu.memref_slice %arg7[%dma_start3A_32] : memref<800xi32, #tpu.memory_space<vmem>> -> memref<400xi32, #tpu.memory_space<vmem>>
    %dma_start3A_34 = arith.constant 0 : i32
    %dma_start3A_35 = arith.constant 0 : i32
    %dma_start3A_36 = tpu.memref_slice %arg2[%dma_start3A_34, %dma_start3A_35] : memref<1000000x64xf32, #tpu.memory_space<hbm>> -> memref<1000000x64xf32, #tpu.memory_space<hbm>>
    tpu.enqueue_indirect_dma source(%dma_start3A_36 : memref<1000000x64xf32, #tpu.memory_space<hbm>>) target(%dma_start3A_31 : memref<400x64xf32, #tpu.memory_space<vmem>>) offsets(%dma_start3A_33 : memref<400xi32, #tpu.memory_space<vmem>>) semaphore(%arg13 : memref<!tpu.dma_semaphore, #tpu.memory_space<semaphore_mem>>)
    %scan3A_37 = arith.constant 0 : i32
    %scan3A_38 = arith.constant 0 : i32
    %scan3A_39 = arith.constant 32 : i32
    %scan3A_40 = arith.addi %scan3A_38, %scan3A_39 : i32
    %scan3A_41 = arith.constant 1 : i32
    scf.for %scan3A_45 = %scan3A_38 to %scan3A_40 step %scan3A_41  : i32 {
      %mul3A_46 = arith.constant 2 : i32
      %mul3A_47 = arith.muli %mul3A_46, %scan3A_45 : i32
      %add3A_48 = arith.constant 0 : i32
      %add3A_49 = arith.addi %mul3A_47, %add3A_48 : i32
      %add3A_50 = arith.constant 2 : i32
      %add3A_51 = arith.addi %add3A_49, %add3A_50 : i32
      %sub3A = arith.constant 1 : i32
      %sub3A_52 = arith.subi %add3A_51, %sub3A : i32
      %eq3A = arith.constant 32 : i32
      %eq3A_53 = arith.cmpi eq, %sub3A_52, %eq3A : i32
      %convert_element_type3A = arith.extui %eq3A_53 : i1 to i32
      %cond3A = arith.constant 0 : i32
      %cond3A_54 = arith.cmpi ne, %convert_element_type3A, %cond3A : i32
      scf.if %cond3A_54 {
        %mul3A_118 = arith.constant 512 : i32
        %mul3A_119 = arith.muli %add3A, %mul3A_118 : i32
        %add3A_120 = arith.constant 256 : i32
        %add3A_121 = arith.addi %mul3A_119, %add3A_120 : i32
        "tpu.region"() ({
          %run_scoped3A = tpu.sem_alloc : memref<!tpu.dma_semaphore, #tpu.memory_space<semaphore_mem>>
          %dma_start3A_122 = arith.constant 0 : i32
          %dma_start3A_123 = tpu.memref_slice %arg3[%add3A_121, %dma_start3A_122] : memref<16384x128xi32, #tpu.memory_space<hbm>> -> memref<256x128xi32, #tpu.memory_space<hbm>>
          %dma_start3A_124 = arith.constant 0 : i32
          %dma_start3A_125 = tpu.memref_slice %arg3[%add3A_121, %dma_start3A_124] : memref<16384x128xi32, #tpu.memory_space<hbm>> -> memref<256x128xi32, #tpu.memory_space<hbm>>
          tpu.enqueue_dma source(%dma_start3A_125 : memref<256x128xi32, #tpu.memory_space<hbm>>) target(%arg6 : memref<256x128xi32, #tpu.memory_space<vmem>>) target_semaphore(%run_scoped3A : memref<!tpu.dma_semaphore, #tpu.memory_space<semaphore_mem>>)
          %dma_wait3A_126 = arith.constant 0 : i32
          %dma_wait3A_127 = tpu.memref_slice %arg3[%add3A_121, %dma_wait3A_126] : memref<16384x128xi32, #tpu.memory_space<hbm>> -> memref<256x128xi32, #tpu.memory_space<hbm>>
          %dma_wait3A_128 = arith.constant 0 : i32
          %dma_wait3A_129 = tpu.memref_slice %arg3[%add3A_121, %dma_wait3A_128] : memref<16384x128xi32, #tpu.memory_space<hbm>> -> memref<256x128xi32, #tpu.memory_space<hbm>>
          tpu.wait_dma2 semaphore(%run_scoped3A : memref<!tpu.dma_semaphore, #tpu.memory_space<semaphore_mem>>) src(%dma_wait3A_129 : memref<256x128xi32, #tpu.memory_space<hbm>>) dst(%arg6 : memref<256x128xi32, #tpu.memory_space<vmem>>)
          tpu.yield
        }) : () -> ()
      } else {
      }
      %add3A_55 = arith.constant 2 : i32
      %add3A_56 = arith.addi %add3A_49, %add3A_55 : i32
      %sub3A_57 = arith.constant 1 : i32
      %sub3A_58 = arith.subi %add3A_56, %sub3A_57 : i32
      %lt3A = arith.constant 64 : i32
      %lt3A_59 = arith.cmpi slt, %sub3A_58, %lt3A : i32
      %convert_element_type3A_60 = arith.extui %lt3A_59 : i1 to i32
      %cond3A_61 = arith.constant 0 : i32
      %cond3A_62 = arith.cmpi ne, %convert_element_type3A_60, %cond3A_61 : i32
      scf.if %cond3A_62 {
        %add3A_118 = arith.constant 2 : i32
        %add3A_119 = arith.addi %add3A_49, %add3A_118 : i32
        %sub3A_120 = arith.constant 1 : i32
        %sub3A_121 = arith.subi %add3A_119, %sub3A_120 : i32
        %scan3A_122 = arith.constant 0 : i32
        %scan3A_123 = arith.constant 0 : i32
        %scan3A_124 = arith.constant 8 : i32
        %scan3A_125 = arith.addi %scan3A_123, %scan3A_124 : i32
        %scan3A_126 = arith.constant 1 : i32
        scf.for %scan3A_138 = %scan3A_123 to %scan3A_125 step %scan3A_126  : i32 {
          %mul3A_139 = arith.constant 8 : i32
          %mul3A_140 = arith.muli %sub3A_121, %mul3A_139 : i32
          %add3A_141 = arith.addi %mul3A_140, %scan3A_138 : i32
          %and3A = arith.constant 255 : i32
          %and3A_142 = arith.andi %add3A_141, %and3A : i32
          %mul3A_143 = arith.constant 50 : i32
          %mul3A_144 = arith.muli %scan3A_138, %mul3A_143 : i32
          %add3A_145 = arith.constant 400 : i32
          %add3A_146 = arith.addi %add3A_145, %mul3A_144 : i32
          %get3A_147 = arith.index_cast %and3A_142 : i32 to index
          %get3A_148 = arith.constant 0 : index
          %get3A_149 = tpu.vector_load %arg6[%get3A_147, %get3A_148] {strides = array<i32>} : memref<256x128xi32, #tpu.memory_space<vmem>>, vector<16xi32>,
          %add3A_150 = arith.constant 0 : i32
          %add3A_151 = arith.addi %add3A_146, %add3A_150 : i32
          %broadcast_in_dim3A_152 = vector.broadcast %add3A_151 : i32 to vector<16xi32>
          %add3A_153 = arith.addi %broadcast_in_dim3A_152, %iota3A : vector<16xi32>
          tpu.vector_store_idx %arg7[%add3A_153], %get3A_149 : memref<800xi32, #tpu.memory_space<vmem>>[vector<16xi32>], vector<16xi32>,
          %get3A_154 = arith.index_cast %and3A_142 : i32 to index
          %get3A_155 = arith.constant 16 : index
          %get3A_156 = tpu.vector_load %arg6[%get3A_154, %get3A_155] {strides = array<i32>} : memref<256x128xi32, #tpu.memory_space<vmem>>, vector<16xi32>,
          %add3A_157 = arith.constant 16 : i32
          %add3A_158 = arith.addi %add3A_146, %add3A_157 : i32
          %broadcast_in_dim3A_159 = vector.broadcast %add3A_158 : i32 to vector<16xi32>
          %add3A_160 = arith.addi %broadcast_in_dim3A_159, %iota3A : vector<16xi32>
          tpu.vector_store_idx %arg7[%add3A_160], %get3A_156 : memref<800xi32, #tpu.memory_space<vmem>>[vector<16xi32>], vector<16xi32>,
          %get3A_161 = arith.index_cast %and3A_142 : i32 to index
          %get3A_162 = arith.constant 32 : index
          %get3A_163 = tpu.vector_load %arg6[%get3A_161, %get3A_162] {strides = array<i32>} : memref<256x128xi32, #tpu.memory_space<vmem>>, vector<16xi32>,
          %add3A_164 = arith.constant 32 : i32
          %add3A_165 = arith.addi %add3A_146, %add3A_164 : i32
          %broadcast_in_dim3A_166 = vector.broadcast %add3A_165 : i32 to vector<16xi32>
          %add3A_167 = arith.addi %broadcast_in_dim3A_166, %iota3A : vector<16xi32>
          tpu.vector_store_idx %arg7[%add3A_167], %get3A_163 : memref<800xi32, #tpu.memory_space<vmem>>[vector<16xi32>], vector<16xi32>,
          %get3A_168 = arith.index_cast %and3A_142 : i32 to index
          %get3A_169 = arith.constant 34 : index
          %get3A_170 = tpu.vector_load %arg6[%get3A_168, %get3A_169] {strides = array<i32>} : memref<256x128xi32, #tpu.memory_space<vmem>>, vector<16xi32>,
          %add3A_171 = arith.constant 34 : i32
          %add3A_172 = arith.addi %add3A_146, %add3A_171 : i32
          %broadcast_in_dim3A_173 = vector.broadcast %add3A_172 : i32 to vector<16xi32>
          %add3A_174 = arith.addi %broadcast_in_dim3A_173, %iota3A : vector<16xi32>
          tpu.vector_store_idx %arg7[%add3A_174], %get3A_170 : memref<800xi32, #tpu.memory_space<vmem>>[vector<16xi32>], vector<16xi32>,
        }
        %scan3A_127 = arith.constant 8 : i32
        %dma_start3A_128 = arith.constant 1 : i32
        %dma_start3A_129 = arith.constant 0 : i32
        %dma_start3A_130 = arith.constant 0 : i32
        %dma_start3A_131 = tpu.memref_slice %arg10[%dma_start3A_128, %dma_start3A_129, %dma_start3A_130] : memref<2x400x64xf32, #tpu.memory_space<vmem>> -> memref<1x400x64xf32, #tpu.memory_space<vmem>>
        %dma_start3A_132 = tpu.memref_squeeze %dma_start3A_131 : memref<1x400x64xf32, #tpu.memory_space<vmem>> -> memref<400x64xf32, #tpu.memory_space<vmem>>
        %dma_start3A_133 = arith.constant 400 : i32
        %dma_start3A_134 = tpu.memref_slice %arg7[%dma_start3A_133] : memref<800xi32, #tpu.memory_space<vmem>> -> memref<400xi32, #tpu.memory_space<vmem>>
        %dma_start3A_135 = arith.constant 0 : i32
        %dma_start3A_136 = arith.constant 0 : i32
        %dma_start3A_137 = tpu.memref_slice %arg2[%dma_start3A_135, %dma_start3A_136] : memref<1000000x64xf32, #tpu.memory_space<hbm>> -> memref<1000000x64xf32, #tpu.memory_space<hbm>>
        tpu.enqueue_indirect_dma source(%dma_start3A_137 : memref<1000000x64xf32, #tpu.memory_space<hbm>>) target(%dma_start3A_132 : memref<400x64xf32, #tpu.memory_space<vmem>>) offsets(%dma_start3A_134 : memref<400xi32, #tpu.memory_space<vmem>>) semaphore(%arg14 : memref<!tpu.dma_semaphore, #tpu.memory_space<semaphore_mem>>)
      } else {
      }
      %dma_wait3A = arith.constant 0 : i32
      %dma_wait3A_63 = arith.constant 0 : i32
      %dma_wait3A_64 = arith.constant 0 : i32
      %dma_wait3A_65 = tpu.memref_slice %arg10[%dma_wait3A, %dma_wait3A_63, %dma_wait3A_64] : memref<2x400x64xf32, #tpu.memory_space<vmem>> -> memref<1x400x64xf32, #tpu.memory_space<vmem>>
      %dma_wait3A_66 = tpu.memref_squeeze %dma_wait3A_65 : memref<1x400x64xf32, #tpu.memory_space<vmem>> -> memref<400x64xf32, #tpu.memory_space<vmem>>
      %dma_wait3A_67 = arith.constant 0 : i32
      %dma_wait3A_68 = tpu.memref_slice %arg7[%dma_wait3A_67] : memref<800xi32, #tpu.memory_space<vmem>> -> memref<400xi32, #tpu.memory_space<vmem>>
      %dma_wait3A_69 = arith.constant 0 : i32
      %dma_wait3A_70 = arith.constant 0 : i32
      %dma_wait3A_71 = tpu.memref_slice %arg2[%dma_wait3A_69, %dma_wait3A_70] : memref<1000000x64xf32, #tpu.memory_space<hbm>> -> memref<1000000x64xf32, #tpu.memory_space<hbm>>
      tpu.wait_indirect_dma semaphore(%arg13 : memref<!tpu.dma_semaphore, #tpu.memory_space<semaphore_mem>>) src(%dma_wait3A_71 : memref<1000000x64xf32, #tpu.memory_space<hbm>>) dst(%dma_wait3A_66 : memref<400x64xf32, #tpu.memory_space<vmem>>)
      %scan3A_72 = arith.constant 0 : i32
      %scan3A_73 = arith.constant 0 : i32
      %scan3A_74 = arith.constant 0 : i32
      %scan3A_75 = arith.constant 8 : i32
      %scan3A_76 = arith.addi %scan3A_74, %scan3A_75 : i32
      %scan3A_77 = arith.constant 1 : i32
      scf.for %scan3A_118 = %scan3A_74 to %scan3A_76 step %scan3A_77  : i32 {
        %mul3A_119 = arith.constant 8 : i32
        %mul3A_120 = arith.muli %add3A_49, %mul3A_119 : i32
        %add3A_121 = arith.addi %mul3A_120, %scan3A_118 : i32
        %mul3A_122 = arith.constant 50 : i32
        %mul3A_123 = arith.muli %scan3A_118, %mul3A_122 : i32
        %scan3A_124 = arith.constant 0 : i32
        %scan3A_125 = arith.constant 10 : i32
        %scan3A_126 = arith.addi %scan3A_124, %scan3A_125 : i32
        %scan3A_127 = arith.constant 1 : i32
        %scan3A_128:4 = scf.for %scan3A_237 = %scan3A_124 to %scan3A_126 step %scan3A_127 iter_args(%scan3A_238 = %broadcast_in_dim3A_22, %scan3A_239 = %broadcast_in_dim3A_22, %scan3A_240 = %broadcast_in_dim3A_22, %scan3A_241 = %broadcast_in_dim3A_22) -> (vector<16xf32>, vector<16xf32>, vector<16xf32>, vector<16xf32>)  : i32 {
          %mul3A_242 = arith.constant 5 : i32
          %mul3A_243 = arith.muli %scan3A_237, %mul3A_242 : i32
          %add3A_244 = arith.addi %mul3A_123, %mul3A_243 : i32
          %add3A_245 = arith.constant 0 : i32
          %add3A_246 = arith.addi %add3A_244, %add3A_245 : i32
          %get3A_247 = arith.constant 0 : i32
          %get3A_248 = arith.constant 0 : i32
          %get3A_249 = tpu.memref_slice %arg10[%scan3A_73, %get3A_247, %get3A_248] : memref<2x400x64xf32, #tpu.memory_space<vmem>> -> memref<1x400x64xf32, #tpu.memory_space<vmem>>
          %get3A_250 = tpu.memref_squeeze %get3A_249 : memref<1x400x64xf32, #tpu.memory_space<vmem>> -> memref<400x64xf32, #tpu.memory_space<vmem>>
          %get3A_251 = arith.index_cast %add3A_246 : i32 to index
          %get3A_252 = arith.constant 0 : index
          %get3A_253 = tpu.vector_load %get3A_250[%get3A_251, %get3A_252] {strides = array<i32>} : memref<400x64xf32, #tpu.memory_space<vmem>>, vector<16xf32>,
          %add3A_254 = arith.addf %scan3A_238, %get3A_253 : vector<16xf32>
          %get3A_255 = arith.constant 0 : i32
          %get3A_256 = arith.constant 0 : i32
          %get3A_257 = tpu.memref_slice %arg10[%scan3A_73, %get3A_255, %get3A_256] : memref<2x400x64xf32, #tpu.memory_space<vmem>> -> memref<1x400x64xf32, #tpu.memory_space<vmem>>
          %get3A_258 = tpu.memref_squeeze %get3A_257 : memref<1x400x64xf32, #tpu.memory_space<vmem>> -> memref<400x64xf32, #tpu.memory_space<vmem>>
          %get3A_259 = arith.index_cast %add3A_246 : i32 to index
          %get3A_260 = arith.constant 16 : index
          %get3A_261 = tpu.vector_load %get3A_258[%get3A_259, %get3A_260] {strides = array<i32>} : memref<400x64xf32, #tpu.memory_space<vmem>>, vector<16xf32>,
          %add3A_262 = arith.addf %scan3A_239, %get3A_261 : vector<16xf32>
          %get3A_263 = arith.constant 0 : i32
          %get3A_264 = arith.constant 0 : i32
          %get3A_265 = tpu.memref_slice %arg10[%scan3A_73, %get3A_263, %get3A_264] : memref<2x400x64xf32, #tpu.memory_space<vmem>> -> memref<1x400x64xf32, #tpu.memory_space<vmem>>
          %get3A_266 = tpu.memref_squeeze %get3A_265 : memref<1x400x64xf32, #tpu.memory_space<vmem>> -> memref<400x64xf32, #tpu.memory_space<vmem>>
          %get3A_267 = arith.index_cast %add3A_246 : i32 to index
          %get3A_268 = arith.constant 32 : index
          %get3A_269 = tpu.vector_load %get3A_266[%get3A_267, %get3A_268] {strides = array<i32>} : memref<400x64xf32, #tpu.memory_space<vmem>>, vector<16xf32>,
          %add3A_270 = arith.addf %scan3A_240, %get3A_269 : vector<16xf32>
          %get3A_271 = arith.constant 0 : i32
          %get3A_272 = arith.constant 0 : i32
          %get3A_273 = tpu.memref_slice %arg10[%scan3A_73, %get3A_271, %get3A_272] : memref<2x400x64xf32, #tpu.memory_space<vmem>> -> memref<1x400x64xf32, #tpu.memory_space<vmem>>
          %get3A_274 = tpu.memref_squeeze %get3A_273 : memref<1x400x64xf32, #tpu.memory_space<vmem>> -> memref<400x64xf32, #tpu.memory_space<vmem>>
          %get3A_275 = arith.index_cast %add3A_246 : i32 to index
          %get3A_276 = arith.constant 48 : index
          %get3A_277 = tpu.vector_load %get3A_274[%get3A_275, %get3A_276] {strides = array<i32>} : memref<400x64xf32, #tpu.memory_space<vmem>>, vector<16xf32>,
          %add3A_278 = arith.addf %scan3A_241, %get3A_277 : vector<16xf32>
          %mul3A_279 = arith.constant 5 : i32
          %mul3A_280 = arith.muli %scan3A_237, %mul3A_279 : i32
          %add3A_281 = arith.addi %mul3A_123, %mul3A_280 : i32
          %add3A_282 = arith.constant 1 : i32
          %add3A_283 = arith.addi %add3A_281, %add3A_282 : i32
          %get3A_284 = arith.constant 0 : i32
          %get3A_285 = arith.constant 0 : i32
          %get3A_286 = tpu.memref_slice %arg10[%scan3A_73, %get3A_284, %get3A_285] : memref<2x400x64xf32, #tpu.memory_space<vmem>> -> memref<1x400x64xf32, #tpu.memory_space<vmem>>
          %get3A_287 = tpu.memref_squeeze %get3A_286 : memref<1x400x64xf32, #tpu.memory_space<vmem>> -> memref<400x64xf32, #tpu.memory_space<vmem>>
          %get3A_288 = arith.index_cast %add3A_283 : i32 to index
          %get3A_289 = arith.constant 0 : index
          %get3A_290 = tpu.vector_load %get3A_287[%get3A_288, %get3A_289] {strides = array<i32>} : memref<400x64xf32, #tpu.memory_space<vmem>>, vector<16xf32>,
          %add3A_291 = arith.addf %add3A_254, %get3A_290 : vector<16xf32>
          %get3A_292 = arith.constant 0 : i32
          %get3A_293 = arith.constant 0 : i32
          %get3A_294 = tpu.memref_slice %arg10[%scan3A_73, %get3A_292, %get3A_293] : memref<2x400x64xf32, #tpu.memory_space<vmem>> -> memref<1x400x64xf32, #tpu.memory_space<vmem>>
          %get3A_295 = tpu.memref_squeeze %get3A_294 : memref<1x400x64xf32, #tpu.memory_space<vmem>> -> memref<400x64xf32, #tpu.memory_space<vmem>>
          %get3A_296 = arith.index_cast %add3A_283 : i32 to index
          %get3A_297 = arith.constant 16 : index
          %get3A_298 = tpu.vector_load %get3A_295[%get3A_296, %get3A_297] {strides = array<i32>} : memref<400x64xf32, #tpu.memory_space<vmem>>, vector<16xf32>,
          %add3A_299 = arith.addf %add3A_262, %get3A_298 : vector<16xf32>
          %get3A_300 = arith.constant 0 : i32
          %get3A_301 = arith.constant 0 : i32
          %get3A_302 = tpu.memref_slice %arg10[%scan3A_73, %get3A_300, %get3A_301] : memref<2x400x64xf32, #tpu.memory_space<vmem>> -> memref<1x400x64xf32, #tpu.memory_space<vmem>>
          %get3A_303 = tpu.memref_squeeze %get3A_302 : memref<1x400x64xf32, #tpu.memory_space<vmem>> -> memref<400x64xf32, #tpu.memory_space<vmem>>
          %get3A_304 = arith.index_cast %add3A_283 : i32 to index
          %get3A_305 = arith.constant 32 : index
          %get3A_306 = tpu.vector_load %get3A_303[%get3A_304, %get3A_305] {strides = array<i32>} : memref<400x64xf32, #tpu.memory_space<vmem>>, vector<16xf32>,
          %add3A_307 = arith.addf %add3A_270, %get3A_306 : vector<16xf32>
          %get3A_308 = arith.constant 0 : i32
          %get3A_309 = arith.constant 0 : i32
          %get3A_310 = tpu.memref_slice %arg10[%scan3A_73, %get3A_308, %get3A_309] : memref<2x400x64xf32, #tpu.memory_space<vmem>> -> memref<1x400x64xf32, #tpu.memory_space<vmem>>
          %get3A_311 = tpu.memref_squeeze %get3A_310 : memref<1x400x64xf32, #tpu.memory_space<vmem>> -> memref<400x64xf32, #tpu.memory_space<vmem>>
          %get3A_312 = arith.index_cast %add3A_283 : i32 to index
          %get3A_313 = arith.constant 48 : index
          %get3A_314 = tpu.vector_load %get3A_311[%get3A_312, %get3A_313] {strides = array<i32>} : memref<400x64xf32, #tpu.memory_space<vmem>>, vector<16xf32>,
          %add3A_315 = arith.addf %add3A_278, %get3A_314 : vector<16xf32>
          %mul3A_316 = arith.constant 5 : i32
          %mul3A_317 = arith.muli %scan3A_237, %mul3A_316 : i32
          %add3A_318 = arith.addi %mul3A_123, %mul3A_317 : i32
          %add3A_319 = arith.constant 2 : i32
          %add3A_320 = arith.addi %add3A_318, %add3A_319 : i32
          %get3A_321 = arith.constant 0 : i32
          %get3A_322 = arith.constant 0 : i32
          %get3A_323 = tpu.memref_slice %arg10[%scan3A_73, %get3A_321, %get3A_322] : memref<2x400x64xf32, #tpu.memory_space<vmem>> -> memref<1x400x64xf32, #tpu.memory_space<vmem>>
          %get3A_324 = tpu.memref_squeeze %get3A_323 : memref<1x400x64xf32, #tpu.memory_space<vmem>> -> memref<400x64xf32, #tpu.memory_space<vmem>>
          %get3A_325 = arith.index_cast %add3A_320 : i32 to index
          %get3A_326 = arith.constant 0 : index
          %get3A_327 = tpu.vector_load %get3A_324[%get3A_325, %get3A_326] {strides = array<i32>} : memref<400x64xf32, #tpu.memory_space<vmem>>, vector<16xf32>,
          %add3A_328 = arith.addf %add3A_291, %get3A_327 : vector<16xf32>
          %get3A_329 = arith.constant 0 : i32
          %get3A_330 = arith.constant 0 : i32
          %get3A_331 = tpu.memref_slice %arg10[%scan3A_73, %get3A_329, %get3A_330] : memref<2x400x64xf32, #tpu.memory_space<vmem>> -> memref<1x400x64xf32, #tpu.memory_space<vmem>>
          %get3A_332 = tpu.memref_squeeze %get3A_331 : memref<1x400x64xf32, #tpu.memory_space<vmem>> -> memref<400x64xf32, #tpu.memory_space<vmem>>
          %get3A_333 = arith.index_cast %add3A_320 : i32 to index
          %get3A_334 = arith.constant 16 : index
          %get3A_335 = tpu.vector_load %get3A_332[%get3A_333, %get3A_334] {strides = array<i32>} : memref<400x64xf32, #tpu.memory_space<vmem>>, vector<16xf32>,
          %add3A_336 = arith.addf %add3A_299, %get3A_335 : vector<16xf32>
          %get3A_337 = arith.constant 0 : i32
          %get3A_338 = arith.constant 0 : i32
          %get3A_339 = tpu.memref_slice %arg10[%scan3A_73, %get3A_337, %get3A_338] : memref<2x400x64xf32, #tpu.memory_space<vmem>> -> memref<1x400x64xf32, #tpu.memory_space<vmem>>
          %get3A_340 = tpu.memref_squeeze %get3A_339 : memref<1x400x64xf32, #tpu.memory_space<vmem>> -> memref<400x64xf32, #tpu.memory_space<vmem>>
          %get3A_341 = arith.index_cast %add3A_320 : i32 to index
          %get3A_342 = arith.constant 32 : index
          %get3A_343 = tpu.vector_load %get3A_340[%get3A_341, %get3A_342] {strides = array<i32>} : memref<400x64xf32, #tpu.memory_space<vmem>>, vector<16xf32>,
          %add3A_344 = arith.addf %add3A_307, %get3A_343 : vector<16xf32>
          %get3A_345 = arith.constant 0 : i32
          %get3A_346 = arith.constant 0 : i32
          %get3A_347 = tpu.memref_slice %arg10[%scan3A_73, %get3A_345, %get3A_346] : memref<2x400x64xf32, #tpu.memory_space<vmem>> -> memref<1x400x64xf32, #tpu.memory_space<vmem>>
          %get3A_348 = tpu.memref_squeeze %get3A_347 : memref<1x400x64xf32, #tpu.memory_space<vmem>> -> memref<400x64xf32, #tpu.memory_space<vmem>>
          %get3A_349 = arith.index_cast %add3A_320 : i32 to index
          %get3A_350 = arith.constant 48 : index
          %get3A_351 = tpu.vector_load %get3A_348[%get3A_349, %get3A_350] {strides = array<i32>} : memref<400x64xf32, #tpu.memory_space<vmem>>, vector<16xf32>,
          %add3A_352 = arith.addf %add3A_315, %get3A_351 : vector<16xf32>
          %mul3A_353 = arith.constant 5 : i32
          %mul3A_354 = arith.muli %scan3A_237, %mul3A_353 : i32
          %add3A_355 = arith.addi %mul3A_123, %mul3A_354 : i32
          %add3A_356 = arith.constant 3 : i32
          %add3A_357 = arith.addi %add3A_355, %add3A_356 : i32
          %get3A_358 = arith.constant 0 : i32
          %get3A_359 = arith.constant 0 : i32
          %get3A_360 = tpu.memref_slice %arg10[%scan3A_73, %get3A_358, %get3A_359] : memref<2x400x64xf32, #tpu.memory_space<vmem>> -> memref<1x400x64xf32, #tpu.memory_space<vmem>>
          %get3A_361 = tpu.memref_squeeze %get3A_360 : memref<1x400x64xf32, #tpu.memory_space<vmem>> -> memref<400x64xf32, #tpu.memory_space<vmem>>
          %get3A_362 = arith.index_cast %add3A_357 : i32 to index
          %get3A_363 = arith.constant 0 : index
          %get3A_364 = tpu.vector_load %get3A_361[%get3A_362, %get3A_363] {strides = array<i32>} : memref<400x64xf32, #tpu.memory_space<vmem>>, vector<16xf32>,
          %add3A_365 = arith.addf %add3A_328, %get3A_364 : vector<16xf32>
          %get3A_366 = arith.constant 0 : i32
          %get3A_367 = arith.constant 0 : i32
          %get3A_368 = tpu.memref_slice %arg10[%scan3A_73, %get3A_366, %get3A_367] : memref<2x400x64xf32, #tpu.memory_space<vmem>> -> memref<1x400x64xf32, #tpu.memory_space<vmem>>
          %get3A_369 = tpu.memref_squeeze %get3A_368 : memref<1x400x64xf32, #tpu.memory_space<vmem>> -> memref<400x64xf32, #tpu.memory_space<vmem>>
          %get3A_370 = arith.index_cast %add3A_357 : i32 to index
          %get3A_371 = arith.constant 16 : index
          %get3A_372 = tpu.vector_load %get3A_369[%get3A_370, %get3A_371] {strides = array<i32>} : memref<400x64xf32, #tpu.memory_space<vmem>>, vector<16xf32>,
          %add3A_373 = arith.addf %add3A_336, %get3A_372 : vector<16xf32>
          %get3A_374 = arith.constant 0 : i32
          %get3A_375 = arith.constant 0 : i32
          %get3A_376 = tpu.memref_slice %arg10[%scan3A_73, %get3A_374, %get3A_375] : memref<2x400x64xf32, #tpu.memory_space<vmem>> -> memref<1x400x64xf32, #tpu.memory_space<vmem>>
          %get3A_377 = tpu.memref_squeeze %get3A_376 : memref<1x400x64xf32, #tpu.memory_space<vmem>> -> memref<400x64xf32, #tpu.memory_space<vmem>>
          %get3A_378 = arith.index_cast %add3A_357 : i32 to index
          %get3A_379 = arith.constant 32 : index
          %get3A_380 = tpu.vector_load %get3A_377[%get3A_378, %get3A_379] {strides = array<i32>} : memref<400x64xf32, #tpu.memory_space<vmem>>, vector<16xf32>,
          %add3A_381 = arith.addf %add3A_344, %get3A_380 : vector<16xf32>
          %get3A_382 = arith.constant 0 : i32
          %get3A_383 = arith.constant 0 : i32
          %get3A_384 = tpu.memref_slice %arg10[%scan3A_73, %get3A_382, %get3A_383] : memref<2x400x64xf32, #tpu.memory_space<vmem>> -> memref<1x400x64xf32, #tpu.memory_space<vmem>>
          %get3A_385 = tpu.memref_squeeze %get3A_384 : memref<1x400x64xf32, #tpu.memory_space<vmem>> -> memref<400x64xf32, #tpu.memory_space<vmem>>
          %get3A_386 = arith.index_cast %add3A_357 : i32 to index
          %get3A_387 = arith.constant 48 : index
          %get3A_388 = tpu.vector_load %get3A_385[%get3A_386, %get3A_387] {strides = array<i32>} : memref<400x64xf32, #tpu.memory_space<vmem>>, vector<16xf32>,
          %add3A_389 = arith.addf %add3A_352, %get3A_388 : vector<16xf32>
          %mul3A_390 = arith.constant 5 : i32
          %mul3A_391 = arith.muli %scan3A_237, %mul3A_390 : i32
          %add3A_392 = arith.addi %mul3A_123, %mul3A_391 : i32
          %add3A_393 = arith.constant 4 : i32
          %add3A_394 = arith.addi %add3A_392, %add3A_393 : i32
          %get3A_395 = arith.constant 0 : i32
          %get3A_396 = arith.constant 0 : i32
          %get3A_397 = tpu.memref_slice %arg10[%scan3A_73, %get3A_395, %get3A_396] : memref<2x400x64xf32, #tpu.memory_space<vmem>> -> memref<1x400x64xf32, #tpu.memory_space<vmem>>
          %get3A_398 = tpu.memref_squeeze %get3A_397 : memref<1x400x64xf32, #tpu.memory_space<vmem>> -> memref<400x64xf32, #tpu.memory_space<vmem>>
          %get3A_399 = arith.index_cast %add3A_394 : i32 to index
          %get3A_400 = arith.constant 0 : index
          %get3A_401 = tpu.vector_load %get3A_398[%get3A_399, %get3A_400] {strides = array<i32>} : memref<400x64xf32, #tpu.memory_space<vmem>>, vector<16xf32>,
          %add3A_402 = arith.addf %add3A_365, %get3A_401 : vector<16xf32>
          %get3A_403 = arith.constant 0 : i32
          %get3A_404 = arith.constant 0 : i32
          %get3A_405 = tpu.memref_slice %arg10[%scan3A_73, %get3A_403, %get3A_404] : memref<2x400x64xf32, #tpu.memory_space<vmem>> -> memref<1x400x64xf32, #tpu.memory_space<vmem>>
          %get3A_406 = tpu.memref_squeeze %get3A_405 : memref<1x400x64xf32, #tpu.memory_space<vmem>> -> memref<400x64xf32, #tpu.memory_space<vmem>>
          %get3A_407 = arith.index_cast %add3A_394 : i32 to index
          %get3A_408 = arith.constant 16 : index
          %get3A_409 = tpu.vector_load %get3A_406[%get3A_407, %get3A_408] {strides = array<i32>} : memref<400x64xf32, #tpu.memory_space<vmem>>, vector<16xf32>,
          %add3A_410 = arith.addf %add3A_373, %get3A_409 : vector<16xf32>
          %get3A_411 = arith.constant 0 : i32
          %get3A_412 = arith.constant 0 : i32
          %get3A_413 = tpu.memref_slice %arg10[%scan3A_73, %get3A_411, %get3A_412] : memref<2x400x64xf32, #tpu.memory_space<vmem>> -> memref<1x400x64xf32, #tpu.memory_space<vmem>>
          %get3A_414 = tpu.memref_squeeze %get3A_413 : memref<1x400x64xf32, #tpu.memory_space<vmem>> -> memref<400x64xf32, #tpu.memory_space<vmem>>
          %get3A_415 = arith.index_cast %add3A_394 : i32 to index
          %get3A_416 = arith.constant 32 : index
          %get3A_417 = tpu.vector_load %get3A_414[%get3A_415, %get3A_416] {strides = array<i32>} : memref<400x64xf32, #tpu.memory_space<vmem>>, vector<16xf32>,
          %add3A_418 = arith.addf %add3A_381, %get3A_417 : vector<16xf32>
          %get3A_419 = arith.constant 0 : i32
          %get3A_420 = arith.constant 0 : i32
          %get3A_421 = tpu.memref_slice %arg10[%scan3A_73, %get3A_419, %get3A_420] : memref<2x400x64xf32, #tpu.memory_space<vmem>> -> memref<1x400x64xf32, #tpu.memory_space<vmem>>
          %get3A_422 = tpu.memref_squeeze %get3A_421 : memref<1x400x64xf32, #tpu.memory_space<vmem>> -> memref<400x64xf32, #tpu.memory_space<vmem>>
          %get3A_423 = arith.index_cast %add3A_394 : i32 to index
          %get3A_424 = arith.constant 48 : index
          %get3A_425 = tpu.vector_load %get3A_422[%get3A_423, %get3A_424] {strides = array<i32>} : memref<400x64xf32, #tpu.memory_space<vmem>>, vector<16xf32>,
          %add3A_426 = arith.addf %add3A_389, %get3A_425 : vector<16xf32>
          scf.yield %add3A_402, %add3A_410, %add3A_418, %add3A_426 : vector<16xf32>, vector<16xf32>, vector<16xf32>, vector<16xf32>
        }
        %scan3A_129 = arith.constant 10 : i32
        %broadcast_in_dim3A_130 = arith.constant 1 : i32
        %broadcast_in_dim3A_131 = vector.broadcast %broadcast_in_dim3A_130 : i32 to vector<16xi32>
        %broadcast_in_dim3A_132 = arith.constant 0 : i32
        %broadcast_in_dim3A_133 = vector.broadcast %broadcast_in_dim3A_132 : i32 to vector<16xi32>
        %add3A_134 = arith.constant 0 : i32
        %add3A_135 = arith.addi %add3A_134, %mul3A_123 : i32
        %add3A_136 = arith.constant 0 : i32
        %add3A_137 = arith.addi %add3A_135, %add3A_136 : i32
        %get3A_138 = arith.index_cast %add3A_137 : i32 to index
        %get3A_139 = tpu.vector_load %arg7[%get3A_138] {strides = array<i32>} : memref<800xi32, #tpu.memory_space<vmem>>, vector<16xi32>,
        %eq3A_140 = arith.constant 0 : i32
        %eq3A_141 = vector.broadcast %eq3A_140 : i32 to vector<16xi32>
        %eq3A_142 = arith.cmpi eq, %get3A_139, %eq3A_141 : vector<16xi32>
        %select_n3A = arith.select %eq3A_142, %broadcast_in_dim3A_131, %broadcast_in_dim3A_133 : vector<16xi1>, vector<16xi32>
        %add3A_143 = arith.addi %broadcast_in_dim3A_133, %select_n3A : vector<16xi32>
        %add3A_144 = arith.constant 0 : i32
        %add3A_145 = arith.addi %add3A_144, %mul3A_123 : i32
        %add3A_146 = arith.constant 16 : i32
        %add3A_147 = arith.addi %add3A_145, %add3A_146 : i32
        %get3A_148 = arith.index_cast %add3A_147 : i32 to index
        %get3A_149 = tpu.vector_load %arg7[%get3A_148] {strides = array<i32>} : memref<800xi32, #tpu.memory_space<vmem>>, vector<16xi32>,
        %eq3A_150 = arith.constant 0 : i32
        %eq3A_151 = vector.broadcast %eq3A_150 : i32 to vector<16xi32>
        %eq3A_152 = arith.cmpi eq, %get3A_149, %eq3A_151 : vector<16xi32>
        %select_n3A_153 = arith.select %eq3A_152, %broadcast_in_dim3A_131, %broadcast_in_dim3A_133 : vector<16xi1>, vector<16xi32>
        %add3A_154 = arith.addi %add3A_143, %select_n3A_153 : vector<16xi32>
        %add3A_155 = arith.constant 0 : i32
        %add3A_156 = arith.addi %add3A_155, %mul3A_123 : i32
        %add3A_157 = arith.constant 32 : i32
        %add3A_158 = arith.addi %add3A_156, %add3A_157 : i32
        %get3A_159 = arith.index_cast %add3A_158 : i32 to index
        %get3A_160 = tpu.vector_load %arg7[%get3A_159] {strides = array<i32>} : memref<800xi32, #tpu.memory_space<vmem>>, vector<16xi32>,
        %eq3A_161 = arith.constant 0 : i32
        %eq3A_162 = vector.broadcast %eq3A_161 : i32 to vector<16xi32>
        %eq3A_163 = arith.cmpi eq, %get3A_160, %eq3A_162 : vector<16xi32>
        %select_n3A_164 = arith.select %eq3A_163, %broadcast_in_dim3A_131, %broadcast_in_dim3A_133 : vector<16xi1>, vector<16xi32>
        %add3A_165 = arith.addi %add3A_154, %select_n3A_164 : vector<16xi32>
        %add3A_166 = arith.constant 0 : i32
        %add3A_167 = arith.addi %add3A_166, %mul3A_123 : i32
        %add3A_168 = arith.constant 50 : i32
        %add3A_169 = arith.addi %add3A_167, %add3A_168 : i32
        %sub3A_170 = arith.constant 16 : i32
        %sub3A_171 = arith.subi %add3A_169, %sub3A_170 : i32
        %get3A_172 = arith.index_cast %sub3A_171 : i32 to index
        %get3A_173 = tpu.vector_load %arg7[%get3A_172] {strides = array<i32>} : memref<800xi32, #tpu.memory_space<vmem>>, vector<16xi32>,
        %eq3A_174 = arith.constant 0 : i32
        %eq3A_175 = vector.broadcast %eq3A_174 : i32 to vector<16xi32>
        %eq3A_176 = arith.cmpi eq, %get3A_173, %eq3A_175 : vector<16xi32>
        %ge3A = arith.constant 14 : i32
        %ge3A_177 = vector.broadcast %ge3A : i32 to vector<16xi32>
        %ge3A_178 = arith.cmpi sge, %iota3A, %ge3A_177 : vector<16xi32>
        %and3A = arith.andi %eq3A_176, %ge3A_178 : vector<16xi1>
        %select_n3A_179 = arith.select %and3A, %broadcast_in_dim3A_131, %broadcast_in_dim3A_133 : vector<16xi1>, vector<16xi32>
        %add3A_180 = arith.addi %add3A_165, %select_n3A_179 : vector<16xi32>
        %iota3A_181 = tpu.iota {dimensions = array<i32: 0>} : vector<16xi32>
        %swap3A = arith.constant 0 : index
        %swap3A_182 = tpu.vector_load %arg12[%swap3A] {strides = array<i32>} : memref<16xi32, #tpu.memory_space<vmem>>, vector<16xi32>,
        tpu.vector_store %arg12[%swap3A], %add3A_180 {strides = array<i32>} : memref<16xi32, #tpu.memory_space<vmem>>, vector<16xi32>,
        %xor3A = arith.constant 8 : i32
        %xor3A_183 = vector.broadcast %xor3A : i32 to vector<16xi32>
        %xor3A_184 = arith.xori %iota3A_181, %xor3A_183 : vector<16xi32>
        %gather3A = tpu.vector_load_idx %arg12[%xor3A_184] : memref<16xi32, #tpu.memory_space<vmem>>[vector<16xi32>], vector<16xi32>,
        %add3A_185 = arith.addi %add3A_180, %gather3A : vector<16xi32>
        %swap3A_186 = arith.constant 0 : index
        %swap3A_187 = tpu.vector_load %arg12[%swap3A_186] {strides = array<i32>} : memref<16xi32, #tpu.memory_space<vmem>>, vector<16xi32>,
        tpu.vector_store %arg12[%swap3A_186], %add3A_185 {strides = array<i32>} : memref<16xi32, #tpu.memory_space<vmem>>, vector<16xi32>,
        %xor3A_188 = arith.constant 4 : i32
        %xor3A_189 = vector.broadcast %xor3A_188 : i32 to vector<16xi32>
        %xor3A_190 = arith.xori %iota3A_181, %xor3A_189 : vector<16xi32>
        %gather3A_191 = tpu.vector_load_idx %arg12[%xor3A_190] : memref<16xi32, #tpu.memory_space<vmem>>[vector<16xi32>], vector<16xi32>,
        %add3A_192 = arith.addi %add3A_185, %gather3A_191 : vector<16xi32>
        %swap3A_193 = arith.constant 0 : index
        %swap3A_194 = tpu.vector_load %arg12[%swap3A_193] {strides = array<i32>} : memref<16xi32, #tpu.memory_space<vmem>>, vector<16xi32>,
        tpu.vector_store %arg12[%swap3A_193], %add3A_192 {strides = array<i32>} : memref<16xi32, #tpu.memory_space<vmem>>, vector<16xi32>,
        %xor3A_195 = arith.constant 2 : i32
        %xor3A_196 = vector.broadcast %xor3A_195 : i32 to vector<16xi32>
        %xor3A_197 = arith.xori %iota3A_181, %xor3A_196 : vector<16xi32>
        %gather3A_198 = tpu.vector_load_idx %arg12[%xor3A_197] : memref<16xi32, #tpu.memory_space<vmem>>[vector<16xi32>], vector<16xi32>,
        %add3A_199 = arith.addi %add3A_192, %gather3A_198 : vector<16xi32>
        %swap3A_200 = arith.constant 0 : index
        %swap3A_201 = tpu.vector_load %arg12[%swap3A_200] {strides = array<i32>} : memref<16xi32, #tpu.memory_space<vmem>>, vector<16xi32>,
        tpu.vector_store %arg12[%swap3A_200], %add3A_199 {strides = array<i32>} : memref<16xi32, #tpu.memory_space<vmem>>, vector<16xi32>,
        %xor3A_202 = arith.constant 1 : i32
        %xor3A_203 = vector.broadcast %xor3A_202 : i32 to vector<16xi32>
        %xor3A_204 = arith.xori %iota3A_181, %xor3A_203 : vector<16xi32>
        %gather3A_205 = tpu.vector_load_idx %arg12[%xor3A_204] : memref<16xi32, #tpu.memory_space<vmem>>[vector<16xi32>], vector<16xi32>,
        %add3A_206 = arith.addi %add3A_199, %gather3A_205 : vector<16xi32>
        %convert_element_type3A_207 = arith.sitofp %add3A_206 : vector<16xi32> to vector<16xf32>
        %broadcast_in_dim3A_208 = vector.broadcast %add3A_121 : i32 to vector<16xi32>
        %gather3A_209 = tpu.vector_load_idx %arg8[%broadcast_in_dim3A_208] : memref<512xi32, #tpu.memory_space<vmem>>[vector<16xi32>], vector<16xi32>,
        %convert_element_type3A_210 = arith.sitofp %gather3A_209 : vector<16xi32> to vector<16xf32>
        %div3A = arith.constant 1.000000e+00 : f32
        %div3A_211 = vector.broadcast %div3A : f32 to vector<16xf32>
        %div3A_212 = arith.divf %div3A_211, %convert_element_type3A_210 : vector<16xf32>
        %mul3A_213 = arith.mulf %convert_element_type3A_207, %get3A_9 : vector<16xf32>
        %sub3A_214 = arith.subf %scan3A_128#0, %mul3A_213 : vector<16xf32>
        %mul3A_215 = arith.mulf %sub3A_214, %div3A_212 : vector<16xf32>
        %swap3A_216 = arith.index_cast %add3A_121 : i32 to index
        %swap3A_217 = arith.constant 0 : index
        %swap3A_218 = tpu.vector_load %arg11[%swap3A_216, %swap3A_217] {strides = array<i32>} : memref<512x64xf32, #tpu.memory_space<vmem>>, vector<16xf32>,
        tpu.vector_store %arg11[%swap3A_216, %swap3A_217], %mul3A_215 {strides = array<i32>} : memref<512x64xf32, #tpu.memory_space<vmem>>, vector<16xf32>,
        %mul3A_219 = arith.mulf %convert_element_type3A_207, %get3A_13 : vector<16xf32>
        %sub3A_220 = arith.subf %scan3A_128#1, %mul3A_219 : vector<16xf32>
        %mul3A_221 = arith.mulf %sub3A_220, %div3A_212 : vector<16xf32>
        %swap3A_222 = arith.index_cast %add3A_121 : i32 to index
        %swap3A_223 = arith.constant 16 : index
        %swap3A_224 = tpu.vector_load %arg11[%swap3A_222, %swap3A_223] {strides = array<i32>} : memref<512x64xf32, #tpu.memory_space<vmem>>, vector<16xf32>,
        tpu.vector_store %arg11[%swap3A_222, %swap3A_223], %mul3A_221 {strides = array<i32>} : memref<512x64xf32, #tpu.memory_space<vmem>>, vector<16xf32>,
        %mul3A_225 = arith.mulf %convert_element_type3A_207, %get3A_17 : vector<16xf32>
        %sub3A_226 = arith.subf %scan3A_128#2, %mul3A_225 : vector<16xf32>
        %mul3A_227 = arith.mulf %sub3A_226, %div3A_212 : vector<16xf32>
        %swap3A_228 = arith.index_cast %add3A_121 : i32 to index
        %swap3A_229 = arith.constant 32 : index
        %swap3A_230 = tpu.vector_load %arg11[%swap3A_228, %swap3A_229] {strides = array<i32>} : memref<512x64xf32, #tpu.memory_space<vmem>>, vector<16xf32>,
        tpu.vector_store %arg11[%swap3A_228, %swap3A_229], %mul3A_227 {strides = array<i32>} : memref<512x64xf32, #tpu.memory_space<vmem>>, vector<16xf32>,
        %mul3A_231 = arith.mulf %convert_element_type3A_207, %get3A_21 : vector<16xf32>
        %sub3A_232 = arith.subf %scan3A_128#3, %mul3A_231 : vector<16xf32>
        %mul3A_233 = arith.mulf %sub3A_232, %div3A_212 : vector<16xf32>
        %swap3A_234 = arith.index_cast %add3A_121 : i32 to index
        %swap3A_235 = arith.constant 48 : index
        %swap3A_236 = tpu.vector_load %arg11[%swap3A_234, %swap3A_235] {strides = array<i32>} : memref<512x64xf32, #tpu.memory_space<vmem>>, vector<16xf32>,
        tpu.vector_store %arg11[%swap3A_234, %swap3A_235], %mul3A_233 {strides = array<i32>} : memref<512x64xf32, #tpu.memory_space<vmem>>, vector<16xf32>,
      }
      %scan3A_78 = arith.constant 8 : i32
      %mul3A_79 = arith.constant 2 : i32
      %mul3A_80 = arith.muli %mul3A_79, %scan3A_45 : i32
      %add3A_81 = arith.constant 1 : i32
      %add3A_82 = arith.addi %mul3A_80, %add3A_81 : i32
      %add3A_83 = arith.constant 2 : i32
      %add3A_84 = arith.addi %add3A_82, %add3A_83 : i32
      %sub3A_85 = arith.constant 1 : i32
      %sub3A_86 = arith.subi %add3A_84, %sub3A_85 : i32
      %eq3A_87 = arith.constant 32 : i32
      %eq3A_88 = arith.cmpi eq, %sub3A_86, %eq3A_87 : i32
      %convert_element_type3A_89 = arith.extui %eq3A_88 : i1 to i32
      %cond3A_90 = arith.constant 0 : i32
      %cond3A_91 = arith.cmpi ne, %convert_element_type3A_89, %cond3A_90 : i32
      scf.if %cond3A_91 {
        %mul3A_118 = arith.constant 512 : i32
        %mul3A_119 = arith.muli %add3A, %mul3A_118 : i32
        %add3A_120 = arith.constant 256 : i32
        %add3A_121 = arith.addi %mul3A_119, %add3A_120 : i32
        "tpu.region"() ({
          %run_scoped3A = tpu.sem_alloc : memref<!tpu.dma_semaphore, #tpu.memory_space<semaphore_mem>>
          %dma_start3A_122 = arith.constant 0 : i32
          %dma_start3A_123 = tpu.memref_slice %arg3[%add3A_121, %dma_start3A_122] : memref<16384x128xi32, #tpu.memory_space<hbm>> -> memref<256x128xi32, #tpu.memory_space<hbm>>
          %dma_start3A_124 = arith.constant 0 : i32
          %dma_start3A_125 = tpu.memref_slice %arg3[%add3A_121, %dma_start3A_124] : memref<16384x128xi32, #tpu.memory_space<hbm>> -> memref<256x128xi32, #tpu.memory_space<hbm>>
          tpu.enqueue_dma source(%dma_start3A_125 : memref<256x128xi32, #tpu.memory_space<hbm>>) target(%arg6 : memref<256x128xi32, #tpu.memory_space<vmem>>) target_semaphore(%run_scoped3A : memref<!tpu.dma_semaphore, #tpu.memory_space<semaphore_mem>>)
          %dma_wait3A_126 = arith.constant 0 : i32
          %dma_wait3A_127 = tpu.memref_slice %arg3[%add3A_121, %dma_wait3A_126] : memref<16384x128xi32, #tpu.memory_space<hbm>> -> memref<256x128xi32, #tpu.memory_space<hbm>>
          %dma_wait3A_128 = arith.constant 0 : i32
          %dma_wait3A_129 = tpu.memref_slice %arg3[%add3A_121, %dma_wait3A_128] : memref<16384x128xi32, #tpu.memory_space<hbm>> -> memref<256x128xi32, #tpu.memory_space<hbm>>
          tpu.wait_dma2 semaphore(%run_scoped3A : memref<!tpu.dma_semaphore, #tpu.memory_space<semaphore_mem>>) src(%dma_wait3A_129 : memref<256x128xi32, #tpu.memory_space<hbm>>) dst(%arg6 : memref<256x128xi32, #tpu.memory_space<vmem>>)
          tpu.yield
        }) : () -> ()
      } else {
      }
      %add3A_92 = arith.constant 2 : i32
      %add3A_93 = arith.addi %add3A_82, %add3A_92 : i32
      %sub3A_94 = arith.constant 1 : i32
      %sub3A_95 = arith.subi %add3A_93, %sub3A_94 : i32
      %lt3A_96 = arith.constant 64 : i32
      %lt3A_97 = arith.cmpi slt, %sub3A_95, %lt3A_96 : i32
      %convert_element_type3A_98 = arith.extui %lt3A_97 : i1 to i32
      %cond3A_99 = arith.constant 0 : i32
      %cond3A_100 = arith.cmpi ne, %convert_element_type3A_98, %cond3A_99 : i32
      scf.if %cond3A_100 {
        %add3A_118 = arith.constant 2 : i32
        %add3A_119 = arith.addi %add3A_82, %add3A_118 : i32
        %sub3A_120 = arith.constant 1 : i32
        %sub3A_121 = arith.subi %add3A_119, %sub3A_120 : i32
        %scan3A_122 = arith.constant 0 : i32
        %scan3A_123 = arith.constant 0 : i32
        %scan3A_124 = arith.constant 8 : i32
        %scan3A_125 = arith.addi %scan3A_123, %scan3A_124 : i32
        %scan3A_126 = arith.constant 1 : i32
        scf.for %scan3A_138 = %scan3A_123 to %scan3A_125 step %scan3A_126  : i32 {
          %mul3A_139 = arith.constant 8 : i32
          %mul3A_140 = arith.muli %sub3A_121, %mul3A_139 : i32
          %add3A_141 = arith.addi %mul3A_140, %scan3A_138 : i32
          %and3A = arith.constant 255 : i32
          %and3A_142 = arith.andi %add3A_141, %and3A : i32
          %mul3A_143 = arith.constant 50 : i32
          %mul3A_144 = arith.muli %scan3A_138, %mul3A_143 : i32
          %add3A_145 = arith.constant 0 : i32
          %add3A_146 = arith.addi %add3A_145, %mul3A_144 : i32
          %get3A_147 = arith.index_cast %and3A_142 : i32 to index
          %get3A_148 = arith.constant 0 : index
          %get3A_149 = tpu.vector_load %arg6[%get3A_147, %get3A_148] {strides = array<i32>} : memref<256x128xi32, #tpu.memory_space<vmem>>, vector<16xi32>,
          %add3A_150 = arith.constant 0 : i32
          %add3A_151 = arith.addi %add3A_146, %add3A_150 : i32
          %broadcast_in_dim3A_152 = vector.broadcast %add3A_151 : i32 to vector<16xi32>
          %add3A_153 = arith.addi %broadcast_in_dim3A_152, %iota3A : vector<16xi32>
          tpu.vector_store_idx %arg7[%add3A_153], %get3A_149 : memref<800xi32, #tpu.memory_space<vmem>>[vector<16xi32>], vector<16xi32>,
          %get3A_154 = arith.index_cast %and3A_142 : i32 to index
          %get3A_155 = arith.constant 16 : index
          %get3A_156 = tpu.vector_load %arg6[%get3A_154, %get3A_155] {strides = array<i32>} : memref<256x128xi32, #tpu.memory_space<vmem>>, vector<16xi32>,
          %add3A_157 = arith.constant 16 : i32
          %add3A_158 = arith.addi %add3A_146, %add3A_157 : i32
          %broadcast_in_dim3A_159 = vector.broadcast %add3A_158 : i32 to vector<16xi32>
          %add3A_160 = arith.addi %broadcast_in_dim3A_159, %iota3A : vector<16xi32>
          tpu.vector_store_idx %arg7[%add3A_160], %get3A_156 : memref<800xi32, #tpu.memory_space<vmem>>[vector<16xi32>], vector<16xi32>,
          %get3A_161 = arith.index_cast %and3A_142 : i32 to index
          %get3A_162 = arith.constant 32 : index
          %get3A_163 = tpu.vector_load %arg6[%get3A_161, %get3A_162] {strides = array<i32>} : memref<256x128xi32, #tpu.memory_space<vmem>>, vector<16xi32>,
          %add3A_164 = arith.constant 32 : i32
          %add3A_165 = arith.addi %add3A_146, %add3A_164 : i32
          %broadcast_in_dim3A_166 = vector.broadcast %add3A_165 : i32 to vector<16xi32>
          %add3A_167 = arith.addi %broadcast_in_dim3A_166, %iota3A : vector<16xi32>
          tpu.vector_store_idx %arg7[%add3A_167], %get3A_163 : memref<800xi32, #tpu.memory_space<vmem>>[vector<16xi32>], vector<16xi32>,
          %get3A_168 = arith.index_cast %and3A_142 : i32 to index
          %get3A_169 = arith.constant 34 : index
          %get3A_170 = tpu.vector_load %arg6[%get3A_168, %get3A_169] {strides = array<i32>} : memref<256x128xi32, #tpu.memory_space<vmem>>, vector<16xi32>,
          %add3A_171 = arith.constant 34 : i32
          %add3A_172 = arith.addi %add3A_146, %add3A_171 : i32
          %broadcast_in_dim3A_173 = vector.broadcast %add3A_172 : i32 to vector<16xi32>
          %add3A_174 = arith.addi %broadcast_in_dim3A_173, %iota3A : vector<16xi32>
          tpu.vector_store_idx %arg7[%add3A_174], %get3A_170 : memref<800xi32, #tpu.memory_space<vmem>>[vector<16xi32>], vector<16xi32>,
        }
        %scan3A_127 = arith.constant 8 : i32
        %dma_start3A_128 = arith.constant 0 : i32
        %dma_start3A_129 = arith.constant 0 : i32
        %dma_start3A_130 = arith.constant 0 : i32
        %dma_start3A_131 = tpu.memref_slice %arg10[%dma_start3A_128, %dma_start3A_129, %dma_start3A_130] : memref<2x400x64xf32, #tpu.memory_space<vmem>> -> memref<1x400x64xf32, #tpu.memory_space<vmem>>
        %dma_start3A_132 = tpu.memref_squeeze %dma_start3A_131 : memref<1x400x64xf32, #tpu.memory_space<vmem>> -> memref<400x64xf32, #tpu.memory_space<vmem>>
        %dma_start3A_133 = arith.constant 0 : i32
        %dma_start3A_134 = tpu.memref_slice %arg7[%dma_start3A_133] : memref<800xi32, #tpu.memory_space<vmem>> -> memref<400xi32, #tpu.memory_space<vmem>>
        %dma_start3A_135 = arith.constant 0 : i32
        %dma_start3A_136 = arith.constant 0 : i32
        %dma_start3A_137 = tpu.memref_slice %arg2[%dma_start3A_135, %dma_start3A_136] : memref<1000000x64xf32, #tpu.memory_space<hbm>> -> memref<1000000x64xf32, #tpu.memory_space<hbm>>
        tpu.enqueue_indirect_dma source(%dma_start3A_137 : memref<1000000x64xf32, #tpu.memory_space<hbm>>) target(%dma_start3A_132 : memref<400x64xf32, #tpu.memory_space<vmem>>) offsets(%dma_start3A_134 : memref<400xi32, #tpu.memory_space<vmem>>) semaphore(%arg13 : memref<!tpu.dma_semaphore, #tpu.memory_space<semaphore_mem>>)
      } else {
      }
      %dma_wait3A_101 = arith.constant 1 : i32
      %dma_wait3A_102 = arith.constant 0 : i32
      %dma_wait3A_103 = arith.constant 0 : i32
      %dma_wait3A_104 = tpu.memref_slice %arg10[%dma_wait3A_101, %dma_wait3A_102, %dma_wait3A_103] : memref<2x400x64xf32, #tpu.memory_space<vmem>> -> memref<1x400x64xf32, #tpu.memory_space<vmem>>
      %dma_wait3A_105 = tpu.memref_squeeze %dma_wait3A_104 : memref<1x400x64xf32, #tpu.memory_space<vmem>> -> memref<400x64xf32, #tpu.memory_space<vmem>>
      %dma_wait3A_106 = arith.constant 0 : i32
      %dma_wait3A_107 = tpu.memref_slice %arg7[%dma_wait3A_106] : memref<800xi32, #tpu.memory_space<vmem>> -> memref<400xi32, #tpu.memory_space<vmem>>
      %dma_wait3A_108 = arith.constant 0 : i32
      %dma_wait3A_109 = arith.constant 0 : i32
      %dma_wait3A_110 = tpu.memref_slice %arg2[%dma_wait3A_108, %dma_wait3A_109] : memref<1000000x64xf32, #tpu.memory_space<hbm>> -> memref<1000000x64xf32, #tpu.memory_space<hbm>>
      tpu.wait_indirect_dma semaphore(%arg14 : memref<!tpu.dma_semaphore, #tpu.memory_space<semaphore_mem>>) src(%dma_wait3A_110 : memref<1000000x64xf32, #tpu.memory_space<hbm>>) dst(%dma_wait3A_105 : memref<400x64xf32, #tpu.memory_space<vmem>>)
      %scan3A_111 = arith.constant 0 : i32
      %scan3A_112 = arith.constant 1 : i32
      %scan3A_113 = arith.constant 0 : i32
      %scan3A_114 = arith.constant 8 : i32
      %scan3A_115 = arith.addi %scan3A_113, %scan3A_114 : i32
      %scan3A_116 = arith.constant 1 : i32
      scf.for %scan3A_118 = %scan3A_113 to %scan3A_115 step %scan3A_116  : i32 {
        %mul3A_119 = arith.constant 8 : i32
        %mul3A_120 = arith.muli %add3A_82, %mul3A_119 : i32
        %add3A_121 = arith.addi %mul3A_120, %scan3A_118 : i32
        %mul3A_122 = arith.constant 50 : i32
        %mul3A_123 = arith.muli %scan3A_118, %mul3A_122 : i32
        %scan3A_124 = arith.constant 0 : i32
        %scan3A_125 = arith.constant 10 : i32
        %scan3A_126 = arith.addi %scan3A_124, %scan3A_125 : i32
        %scan3A_127 = arith.constant 1 : i32
        %scan3A_128:4 = scf.for %scan3A_237 = %scan3A_124 to %scan3A_126 step %scan3A_127 iter_args(%scan3A_238 = %broadcast_in_dim3A_22, %scan3A_239 = %broadcast_in_dim3A_22, %scan3A_240 = %broadcast_in_dim3A_22, %scan3A_241 = %broadcast_in_dim3A_22) -> (vector<16xf32>, vector<16xf32>, vector<16xf32>, vector<16xf32>)  : i32 {
          %mul3A_242 = arith.constant 5 : i32
          %mul3A_243 = arith.muli %scan3A_237, %mul3A_242 : i32
          %add3A_244 = arith.addi %mul3A_123, %mul3A_243 : i32
          %add3A_245 = arith.constant 0 : i32
          %add3A_246 = arith.addi %add3A_244, %add3A_245 : i32
          %get3A_247 = arith.constant 0 : i32
          %get3A_248 = arith.constant 0 : i32
          %get3A_249 = tpu.memref_slice %arg10[%scan3A_112, %get3A_247, %get3A_248] : memref<2x400x64xf32, #tpu.memory_space<vmem>> -> memref<1x400x64xf32, #tpu.memory_space<vmem>>
          %get3A_250 = tpu.memref_squeeze %get3A_249 : memref<1x400x64xf32, #tpu.memory_space<vmem>> -> memref<400x64xf32, #tpu.memory_space<vmem>>
          %get3A_251 = arith.index_cast %add3A_246 : i32 to index
          %get3A_252 = arith.constant 0 : index
          %get3A_253 = tpu.vector_load %get3A_250[%get3A_251, %get3A_252] {strides = array<i32>} : memref<400x64xf32, #tpu.memory_space<vmem>>, vector<16xf32>,
          %add3A_254 = arith.addf %scan3A_238, %get3A_253 : vector<16xf32>
          %get3A_255 = arith.constant 0 : i32
          %get3A_256 = arith.constant 0 : i32
          %get3A_257 = tpu.memref_slice %arg10[%scan3A_112, %get3A_255, %get3A_256] : memref<2x400x64xf32, #tpu.memory_space<vmem>> -> memref<1x400x64xf32, #tpu.memory_space<vmem>>
          %get3A_258 = tpu.memref_squeeze %get3A_257 : memref<1x400x64xf32, #tpu.memory_space<vmem>> -> memref<400x64xf32, #tpu.memory_space<vmem>>
          %get3A_259 = arith.index_cast %add3A_246 : i32 to index
          %get3A_260 = arith.constant 16 : index
          %get3A_261 = tpu.vector_load %get3A_258[%get3A_259, %get3A_260] {strides = array<i32>} : memref<400x64xf32, #tpu.memory_space<vmem>>, vector<16xf32>,
          %add3A_262 = arith.addf %scan3A_239, %get3A_261 : vector<16xf32>
          %get3A_263 = arith.constant 0 : i32
          %get3A_264 = arith.constant 0 : i32
          %get3A_265 = tpu.memref_slice %arg10[%scan3A_112, %get3A_263, %get3A_264] : memref<2x400x64xf32, #tpu.memory_space<vmem>> -> memref<1x400x64xf32, #tpu.memory_space<vmem>>
          %get3A_266 = tpu.memref_squeeze %get3A_265 : memref<1x400x64xf32, #tpu.memory_space<vmem>> -> memref<400x64xf32, #tpu.memory_space<vmem>>
          %get3A_267 = arith.index_cast %add3A_246 : i32 to index
          %get3A_268 = arith.constant 32 : index
          %get3A_269 = tpu.vector_load %get3A_266[%get3A_267, %get3A_268] {strides = array<i32>} : memref<400x64xf32, #tpu.memory_space<vmem>>, vector<16xf32>,
          %add3A_270 = arith.addf %scan3A_240, %get3A_269 : vector<16xf32>
          %get3A_271 = arith.constant 0 : i32
          %get3A_272 = arith.constant 0 : i32
          %get3A_273 = tpu.memref_slice %arg10[%scan3A_112, %get3A_271, %get3A_272] : memref<2x400x64xf32, #tpu.memory_space<vmem>> -> memref<1x400x64xf32, #tpu.memory_space<vmem>>
          %get3A_274 = tpu.memref_squeeze %get3A_273 : memref<1x400x64xf32, #tpu.memory_space<vmem>> -> memref<400x64xf32, #tpu.memory_space<vmem>>
          %get3A_275 = arith.index_cast %add3A_246 : i32 to index
          %get3A_276 = arith.constant 48 : index
          %get3A_277 = tpu.vector_load %get3A_274[%get3A_275, %get3A_276] {strides = array<i32>} : memref<400x64xf32, #tpu.memory_space<vmem>>, vector<16xf32>,
          %add3A_278 = arith.addf %scan3A_241, %get3A_277 : vector<16xf32>
          %mul3A_279 = arith.constant 5 : i32
          %mul3A_280 = arith.muli %scan3A_237, %mul3A_279 : i32
          %add3A_281 = arith.addi %mul3A_123, %mul3A_280 : i32
          %add3A_282 = arith.constant 1 : i32
          %add3A_283 = arith.addi %add3A_281, %add3A_282 : i32
          %get3A_284 = arith.constant 0 : i32
          %get3A_285 = arith.constant 0 : i32
          %get3A_286 = tpu.memref_slice %arg10[%scan3A_112, %get3A_284, %get3A_285] : memref<2x400x64xf32, #tpu.memory_space<vmem>> -> memref<1x400x64xf32, #tpu.memory_space<vmem>>
          %get3A_287 = tpu.memref_squeeze %get3A_286 : memref<1x400x64xf32, #tpu.memory_space<vmem>> -> memref<400x64xf32, #tpu.memory_space<vmem>>
          %get3A_288 = arith.index_cast %add3A_283 : i32 to index
          %get3A_289 = arith.constant 0 : index
          %get3A_290 = tpu.vector_load %get3A_287[%get3A_288, %get3A_289] {strides = array<i32>} : memref<400x64xf32, #tpu.memory_space<vmem>>, vector<16xf32>,
          %add3A_291 = arith.addf %add3A_254, %get3A_290 : vector<16xf32>
          %get3A_292 = arith.constant 0 : i32
          %get3A_293 = arith.constant 0 : i32
          %get3A_294 = tpu.memref_slice %arg10[%scan3A_112, %get3A_292, %get3A_293] : memref<2x400x64xf32, #tpu.memory_space<vmem>> -> memref<1x400x64xf32, #tpu.memory_space<vmem>>
          %get3A_295 = tpu.memref_squeeze %get3A_294 : memref<1x400x64xf32, #tpu.memory_space<vmem>> -> memref<400x64xf32, #tpu.memory_space<vmem>>
          %get3A_296 = arith.index_cast %add3A_283 : i32 to index
          %get3A_297 = arith.constant 16 : index
          %get3A_298 = tpu.vector_load %get3A_295[%get3A_296, %get3A_297] {strides = array<i32>} : memref<400x64xf32, #tpu.memory_space<vmem>>, vector<16xf32>,
          %add3A_299 = arith.addf %add3A_262, %get3A_298 : vector<16xf32>
          %get3A_300 = arith.constant 0 : i32
          %get3A_301 = arith.constant 0 : i32
          %get3A_302 = tpu.memref_slice %arg10[%scan3A_112, %get3A_300, %get3A_301] : memref<2x400x64xf32, #tpu.memory_space<vmem>> -> memref<1x400x64xf32, #tpu.memory_space<vmem>>
          %get3A_303 = tpu.memref_squeeze %get3A_302 : memref<1x400x64xf32, #tpu.memory_space<vmem>> -> memref<400x64xf32, #tpu.memory_space<vmem>>
          %get3A_304 = arith.index_cast %add3A_283 : i32 to index
          %get3A_305 = arith.constant 32 : index
          %get3A_306 = tpu.vector_load %get3A_303[%get3A_304, %get3A_305] {strides = array<i32>} : memref<400x64xf32, #tpu.memory_space<vmem>>, vector<16xf32>,
          %add3A_307 = arith.addf %add3A_270, %get3A_306 : vector<16xf32>
          %get3A_308 = arith.constant 0 : i32
          %get3A_309 = arith.constant 0 : i32
          %get3A_310 = tpu.memref_slice %arg10[%scan3A_112, %get3A_308, %get3A_309] : memref<2x400x64xf32, #tpu.memory_space<vmem>> -> memref<1x400x64xf32, #tpu.memory_space<vmem>>
          %get3A_311 = tpu.memref_squeeze %get3A_310 : memref<1x400x64xf32, #tpu.memory_space<vmem>> -> memref<400x64xf32, #tpu.memory_space<vmem>>
          %get3A_312 = arith.index_cast %add3A_283 : i32 to index
          %get3A_313 = arith.constant 48 : index
          %get3A_314 = tpu.vector_load %get3A_311[%get3A_312, %get3A_313] {strides = array<i32>} : memref<400x64xf32, #tpu.memory_space<vmem>>, vector<16xf32>,
          %add3A_315 = arith.addf %add3A_278, %get3A_314 : vector<16xf32>
          %mul3A_316 = arith.constant 5 : i32
          %mul3A_317 = arith.muli %scan3A_237, %mul3A_316 : i32
          %add3A_318 = arith.addi %mul3A_123, %mul3A_317 : i32
          %add3A_319 = arith.constant 2 : i32
          %add3A_320 = arith.addi %add3A_318, %add3A_319 : i32
          %get3A_321 = arith.constant 0 : i32
          %get3A_322 = arith.constant 0 : i32
          %get3A_323 = tpu.memref_slice %arg10[%scan3A_112, %get3A_321, %get3A_322] : memref<2x400x64xf32, #tpu.memory_space<vmem>> -> memref<1x400x64xf32, #tpu.memory_space<vmem>>
          %get3A_324 = tpu.memref_squeeze %get3A_323 : memref<1x400x64xf32, #tpu.memory_space<vmem>> -> memref<400x64xf32, #tpu.memory_space<vmem>>
          %get3A_325 = arith.index_cast %add3A_320 : i32 to index
          %get3A_326 = arith.constant 0 : index
          %get3A_327 = tpu.vector_load %get3A_324[%get3A_325, %get3A_326] {strides = array<i32>} : memref<400x64xf32, #tpu.memory_space<vmem>>, vector<16xf32>,
          %add3A_328 = arith.addf %add3A_291, %get3A_327 : vector<16xf32>
          %get3A_329 = arith.constant 0 : i32
          %get3A_330 = arith.constant 0 : i32
          %get3A_331 = tpu.memref_slice %arg10[%scan3A_112, %get3A_329, %get3A_330] : memref<2x400x64xf32, #tpu.memory_space<vmem>> -> memref<1x400x64xf32, #tpu.memory_space<vmem>>
          %get3A_332 = tpu.memref_squeeze %get3A_331 : memref<1x400x64xf32, #tpu.memory_space<vmem>> -> memref<400x64xf32, #tpu.memory_space<vmem>>
          %get3A_333 = arith.index_cast %add3A_320 : i32 to index
          %get3A_334 = arith.constant 16 : index
          %get3A_335 = tpu.vector_load %get3A_332[%get3A_333, %get3A_334] {strides = array<i32>} : memref<400x64xf32, #tpu.memory_space<vmem>>, vector<16xf32>,
          %add3A_336 = arith.addf %add3A_299, %get3A_335 : vector<16xf32>
          %get3A_337 = arith.constant 0 : i32
          %get3A_338 = arith.constant 0 : i32
          %get3A_339 = tpu.memref_slice %arg10[%scan3A_112, %get3A_337, %get3A_338] : memref<2x400x64xf32, #tpu.memory_space<vmem>> -> memref<1x400x64xf32, #tpu.memory_space<vmem>>
          %get3A_340 = tpu.memref_squeeze %get3A_339 : memref<1x400x64xf32, #tpu.memory_space<vmem>> -> memref<400x64xf32, #tpu.memory_space<vmem>>
          %get3A_341 = arith.index_cast %add3A_320 : i32 to index
          %get3A_342 = arith.constant 32 : index
          %get3A_343 = tpu.vector_load %get3A_340[%get3A_341, %get3A_342] {strides = array<i32>} : memref<400x64xf32, #tpu.memory_space<vmem>>, vector<16xf32>,
          %add3A_344 = arith.addf %add3A_307, %get3A_343 : vector<16xf32>
          %get3A_345 = arith.constant 0 : i32
          %get3A_346 = arith.constant 0 : i32
          %get3A_347 = tpu.memref_slice %arg10[%scan3A_112, %get3A_345, %get3A_346] : memref<2x400x64xf32, #tpu.memory_space<vmem>> -> memref<1x400x64xf32, #tpu.memory_space<vmem>>
          %get3A_348 = tpu.memref_squeeze %get3A_347 : memref<1x400x64xf32, #tpu.memory_space<vmem>> -> memref<400x64xf32, #tpu.memory_space<vmem>>
          %get3A_349 = arith.index_cast %add3A_320 : i32 to index
          %get3A_350 = arith.constant 48 : index
          %get3A_351 = tpu.vector_load %get3A_348[%get3A_349, %get3A_350] {strides = array<i32>} : memref<400x64xf32, #tpu.memory_space<vmem>>, vector<16xf32>,
          %add3A_352 = arith.addf %add3A_315, %get3A_351 : vector<16xf32>
          %mul3A_353 = arith.constant 5 : i32
          %mul3A_354 = arith.muli %scan3A_237, %mul3A_353 : i32
          %add3A_355 = arith.addi %mul3A_123, %mul3A_354 : i32
          %add3A_356 = arith.constant 3 : i32
          %add3A_357 = arith.addi %add3A_355, %add3A_356 : i32
          %get3A_358 = arith.constant 0 : i32
          %get3A_359 = arith.constant 0 : i32
          %get3A_360 = tpu.memref_slice %arg10[%scan3A_112, %get3A_358, %get3A_359] : memref<2x400x64xf32, #tpu.memory_space<vmem>> -> memref<1x400x64xf32, #tpu.memory_space<vmem>>
          %get3A_361 = tpu.memref_squeeze %get3A_360 : memref<1x400x64xf32, #tpu.memory_space<vmem>> -> memref<400x64xf32, #tpu.memory_space<vmem>>
          %get3A_362 = arith.index_cast %add3A_357 : i32 to index
          %get3A_363 = arith.constant 0 : index
          %get3A_364 = tpu.vector_load %get3A_361[%get3A_362, %get3A_363] {strides = array<i32>} : memref<400x64xf32, #tpu.memory_space<vmem>>, vector<16xf32>,
          %add3A_365 = arith.addf %add3A_328, %get3A_364 : vector<16xf32>
          %get3A_366 = arith.constant 0 : i32
          %get3A_367 = arith.constant 0 : i32
          %get3A_368 = tpu.memref_slice %arg10[%scan3A_112, %get3A_366, %get3A_367] : memref<2x400x64xf32, #tpu.memory_space<vmem>> -> memref<1x400x64xf32, #tpu.memory_space<vmem>>
          %get3A_369 = tpu.memref_squeeze %get3A_368 : memref<1x400x64xf32, #tpu.memory_space<vmem>> -> memref<400x64xf32, #tpu.memory_space<vmem>>
          %get3A_370 = arith.index_cast %add3A_357 : i32 to index
          %get3A_371 = arith.constant 16 : index
          %get3A_372 = tpu.vector_load %get3A_369[%get3A_370, %get3A_371] {strides = array<i32>} : memref<400x64xf32, #tpu.memory_space<vmem>>, vector<16xf32>,
          %add3A_373 = arith.addf %add3A_336, %get3A_372 : vector<16xf32>
          %get3A_374 = arith.constant 0 : i32
          %get3A_375 = arith.constant 0 : i32
          %get3A_376 = tpu.memref_slice %arg10[%scan3A_112, %get3A_374, %get3A_375] : memref<2x400x64xf32, #tpu.memory_space<vmem>> -> memref<1x400x64xf32, #tpu.memory_space<vmem>>
          %get3A_377 = tpu.memref_squeeze %get3A_376 : memref<1x400x64xf32, #tpu.memory_space<vmem>> -> memref<400x64xf32, #tpu.memory_space<vmem>>
          %get3A_378 = arith.index_cast %add3A_357 : i32 to index
          %get3A_379 = arith.constant 32 : index
          %get3A_380 = tpu.vector_load %get3A_377[%get3A_378, %get3A_379] {strides = array<i32>} : memref<400x64xf32, #tpu.memory_space<vmem>>, vector<16xf32>,
          %add3A_381 = arith.addf %add3A_344, %get3A_380 : vector<16xf32>
          %get3A_382 = arith.constant 0 : i32
          %get3A_383 = arith.constant 0 : i32
          %get3A_384 = tpu.memref_slice %arg10[%scan3A_112, %get3A_382, %get3A_383] : memref<2x400x64xf32, #tpu.memory_space<vmem>> -> memref<1x400x64xf32, #tpu.memory_space<vmem>>
          %get3A_385 = tpu.memref_squeeze %get3A_384 : memref<1x400x64xf32, #tpu.memory_space<vmem>> -> memref<400x64xf32, #tpu.memory_space<vmem>>
          %get3A_386 = arith.index_cast %add3A_357 : i32 to index
          %get3A_387 = arith.constant 48 : index
          %get3A_388 = tpu.vector_load %get3A_385[%get3A_386, %get3A_387] {strides = array<i32>} : memref<400x64xf32, #tpu.memory_space<vmem>>, vector<16xf32>,
          %add3A_389 = arith.addf %add3A_352, %get3A_388 : vector<16xf32>
          %mul3A_390 = arith.constant 5 : i32
          %mul3A_391 = arith.muli %scan3A_237, %mul3A_390 : i32
          %add3A_392 = arith.addi %mul3A_123, %mul3A_391 : i32
          %add3A_393 = arith.constant 4 : i32
          %add3A_394 = arith.addi %add3A_392, %add3A_393 : i32
          %get3A_395 = arith.constant 0 : i32
          %get3A_396 = arith.constant 0 : i32
          %get3A_397 = tpu.memref_slice %arg10[%scan3A_112, %get3A_395, %get3A_396] : memref<2x400x64xf32, #tpu.memory_space<vmem>> -> memref<1x400x64xf32, #tpu.memory_space<vmem>>
          %get3A_398 = tpu.memref_squeeze %get3A_397 : memref<1x400x64xf32, #tpu.memory_space<vmem>> -> memref<400x64xf32, #tpu.memory_space<vmem>>
          %get3A_399 = arith.index_cast %add3A_394 : i32 to index
          %get3A_400 = arith.constant 0 : index
          %get3A_401 = tpu.vector_load %get3A_398[%get3A_399, %get3A_400] {strides = array<i32>} : memref<400x64xf32, #tpu.memory_space<vmem>>, vector<16xf32>,
          %add3A_402 = arith.addf %add3A_365, %get3A_401 : vector<16xf32>
          %get3A_403 = arith.constant 0 : i32
          %get3A_404 = arith.constant 0 : i32
          %get3A_405 = tpu.memref_slice %arg10[%scan3A_112, %get3A_403, %get3A_404] : memref<2x400x64xf32, #tpu.memory_space<vmem>> -> memref<1x400x64xf32, #tpu.memory_space<vmem>>
          %get3A_406 = tpu.memref_squeeze %get3A_405 : memref<1x400x64xf32, #tpu.memory_space<vmem>> -> memref<400x64xf32, #tpu.memory_space<vmem>>
          %get3A_407 = arith.index_cast %add3A_394 : i32 to index
          %get3A_408 = arith.constant 16 : index
          %get3A_409 = tpu.vector_load %get3A_406[%get3A_407, %get3A_408] {strides = array<i32>} : memref<400x64xf32, #tpu.memory_space<vmem>>, vector<16xf32>,
          %add3A_410 = arith.addf %add3A_373, %get3A_409 : vector<16xf32>
          %get3A_411 = arith.constant 0 : i32
          %get3A_412 = arith.constant 0 : i32
          %get3A_413 = tpu.memref_slice %arg10[%scan3A_112, %get3A_411, %get3A_412] : memref<2x400x64xf32, #tpu.memory_space<vmem>> -> memref<1x400x64xf32, #tpu.memory_space<vmem>>
          %get3A_414 = tpu.memref_squeeze %get3A_413 : memref<1x400x64xf32, #tpu.memory_space<vmem>> -> memref<400x64xf32, #tpu.memory_space<vmem>>
          %get3A_415 = arith.index_cast %add3A_394 : i32 to index
          %get3A_416 = arith.constant 32 : index
          %get3A_417 = tpu.vector_load %get3A_414[%get3A_415, %get3A_416] {strides = array<i32>} : memref<400x64xf32, #tpu.memory_space<vmem>>, vector<16xf32>,
          %add3A_418 = arith.addf %add3A_381, %get3A_417 : vector<16xf32>
          %get3A_419 = arith.constant 0 : i32
          %get3A_420 = arith.constant 0 : i32
          %get3A_421 = tpu.memref_slice %arg10[%scan3A_112, %get3A_419, %get3A_420] : memref<2x400x64xf32, #tpu.memory_space<vmem>> -> memref<1x400x64xf32, #tpu.memory_space<vmem>>
          %get3A_422 = tpu.memref_squeeze %get3A_421 : memref<1x400x64xf32, #tpu.memory_space<vmem>> -> memref<400x64xf32, #tpu.memory_space<vmem>>
          %get3A_423 = arith.index_cast %add3A_394 : i32 to index
          %get3A_424 = arith.constant 48 : index
          %get3A_425 = tpu.vector_load %get3A_422[%get3A_423, %get3A_424] {strides = array<i32>} : memref<400x64xf32, #tpu.memory_space<vmem>>, vector<16xf32>,
          %add3A_426 = arith.addf %add3A_389, %get3A_425 : vector<16xf32>
          scf.yield %add3A_402, %add3A_410, %add3A_418, %add3A_426 : vector<16xf32>, vector<16xf32>, vector<16xf32>, vector<16xf32>
        }
        %scan3A_129 = arith.constant 10 : i32
        %broadcast_in_dim3A_130 = arith.constant 1 : i32
        %broadcast_in_dim3A_131 = vector.broadcast %broadcast_in_dim3A_130 : i32 to vector<16xi32>
        %broadcast_in_dim3A_132 = arith.constant 0 : i32
        %broadcast_in_dim3A_133 = vector.broadcast %broadcast_in_dim3A_132 : i32 to vector<16xi32>
        %add3A_134 = arith.constant 400 : i32
        %add3A_135 = arith.addi %add3A_134, %mul3A_123 : i32
        %add3A_136 = arith.constant 0 : i32
        %add3A_137 = arith.addi %add3A_135, %add3A_136 : i32
        %get3A_138 = arith.index_cast %add3A_137 : i32 to index
        %get3A_139 = tpu.vector_load %arg7[%get3A_138] {strides = array<i32>} : memref<800xi32, #tpu.memory_space<vmem>>, vector<16xi32>,
        %eq3A_140 = arith.constant 0 : i32
        %eq3A_141 = vector.broadcast %eq3A_140 : i32 to vector<16xi32>
        %eq3A_142 = arith.cmpi eq, %get3A_139, %eq3A_141 : vector<16xi32>
        %select_n3A = arith.select %eq3A_142, %broadcast_in_dim3A_131, %broadcast_in_dim3A_133 : vector<16xi1>, vector<16xi32>
        %add3A_143 = arith.addi %broadcast_in_dim3A_133, %select_n3A : vector<16xi32>
        %add3A_144 = arith.constant 400 : i32
        %add3A_145 = arith.addi %add3A_144, %mul3A_123 : i32
        %add3A_146 = arith.constant 16 : i32
        %add3A_147 = arith.addi %add3A_145, %add3A_146 : i32
        %get3A_148 = arith.index_cast %add3A_147 : i32 to index
        %get3A_149 = tpu.vector_load %arg7[%get3A_148] {strides = array<i32>} : memref<800xi32, #tpu.memory_space<vmem>>, vector<16xi32>,
        %eq3A_150 = arith.constant 0 : i32
        %eq3A_151 = vector.broadcast %eq3A_150 : i32 to vector<16xi32>
        %eq3A_152 = arith.cmpi eq, %get3A_149, %eq3A_151 : vector<16xi32>
        %select_n3A_153 = arith.select %eq3A_152, %broadcast_in_dim3A_131, %broadcast_in_dim3A_133 : vector<16xi1>, vector<16xi32>
        %add3A_154 = arith.addi %add3A_143, %select_n3A_153 : vector<16xi32>
        %add3A_155 = arith.constant 400 : i32
        %add3A_156 = arith.addi %add3A_155, %mul3A_123 : i32
        %add3A_157 = arith.constant 32 : i32
        %add3A_158 = arith.addi %add3A_156, %add3A_157 : i32
        %get3A_159 = arith.index_cast %add3A_158 : i32 to index
        %get3A_160 = tpu.vector_load %arg7[%get3A_159] {strides = array<i32>} : memref<800xi32, #tpu.memory_space<vmem>>, vector<16xi32>,
        %eq3A_161 = arith.constant 0 : i32
        %eq3A_162 = vector.broadcast %eq3A_161 : i32 to vector<16xi32>
        %eq3A_163 = arith.cmpi eq, %get3A_160, %eq3A_162 : vector<16xi32>
        %select_n3A_164 = arith.select %eq3A_163, %broadcast_in_dim3A_131, %broadcast_in_dim3A_133 : vector<16xi1>, vector<16xi32>
        %add3A_165 = arith.addi %add3A_154, %select_n3A_164 : vector<16xi32>
        %add3A_166 = arith.constant 400 : i32
        %add3A_167 = arith.addi %add3A_166, %mul3A_123 : i32
        %add3A_168 = arith.constant 50 : i32
        %add3A_169 = arith.addi %add3A_167, %add3A_168 : i32
        %sub3A_170 = arith.constant 16 : i32
        %sub3A_171 = arith.subi %add3A_169, %sub3A_170 : i32
        %get3A_172 = arith.index_cast %sub3A_171 : i32 to index
        %get3A_173 = tpu.vector_load %arg7[%get3A_172] {strides = array<i32>} : memref<800xi32, #tpu.memory_space<vmem>>, vector<16xi32>,
        %eq3A_174 = arith.constant 0 : i32
        %eq3A_175 = vector.broadcast %eq3A_174 : i32 to vector<16xi32>
        %eq3A_176 = arith.cmpi eq, %get3A_173, %eq3A_175 : vector<16xi32>
        %ge3A = arith.constant 14 : i32
        %ge3A_177 = vector.broadcast %ge3A : i32 to vector<16xi32>
        %ge3A_178 = arith.cmpi sge, %iota3A, %ge3A_177 : vector<16xi32>
        %and3A = arith.andi %eq3A_176, %ge3A_178 : vector<16xi1>
        %select_n3A_179 = arith.select %and3A, %broadcast_in_dim3A_131, %broadcast_in_dim3A_133 : vector<16xi1>, vector<16xi32>
        %add3A_180 = arith.addi %add3A_165, %select_n3A_179 : vector<16xi32>
        %iota3A_181 = tpu.iota {dimensions = array<i32: 0>} : vector<16xi32>
        %swap3A = arith.constant 0 : index
        %swap3A_182 = tpu.vector_load %arg12[%swap3A] {strides = array<i32>} : memref<16xi32, #tpu.memory_space<vmem>>, vector<16xi32>,
        tpu.vector_store %arg12[%swap3A], %add3A_180 {strides = array<i32>} : memref<16xi32, #tpu.memory_space<vmem>>, vector<16xi32>,
        %xor3A = arith.constant 8 : i32
        %xor3A_183 = vector.broadcast %xor3A : i32 to vector<16xi32>
        %xor3A_184 = arith.xori %iota3A_181, %xor3A_183 : vector<16xi32>
        %gather3A = tpu.vector_load_idx %arg12[%xor3A_184] : memref<16xi32, #tpu.memory_space<vmem>>[vector<16xi32>], vector<16xi32>,
        %add3A_185 = arith.addi %add3A_180, %gather3A : vector<16xi32>
        %swap3A_186 = arith.constant 0 : index
        %swap3A_187 = tpu.vector_load %arg12[%swap3A_186] {strides = array<i32>} : memref<16xi32, #tpu.memory_space<vmem>>, vector<16xi32>,
        tpu.vector_store %arg12[%swap3A_186], %add3A_185 {strides = array<i32>} : memref<16xi32, #tpu.memory_space<vmem>>, vector<16xi32>,
        %xor3A_188 = arith.constant 4 : i32
        %xor3A_189 = vector.broadcast %xor3A_188 : i32 to vector<16xi32>
        %xor3A_190 = arith.xori %iota3A_181, %xor3A_189 : vector<16xi32>
        %gather3A_191 = tpu.vector_load_idx %arg12[%xor3A_190] : memref<16xi32, #tpu.memory_space<vmem>>[vector<16xi32>], vector<16xi32>,
        %add3A_192 = arith.addi %add3A_185, %gather3A_191 : vector<16xi32>
        %swap3A_193 = arith.constant 0 : index
        %swap3A_194 = tpu.vector_load %arg12[%swap3A_193] {strides = array<i32>} : memref<16xi32, #tpu.memory_space<vmem>>, vector<16xi32>,
        tpu.vector_store %arg12[%swap3A_193], %add3A_192 {strides = array<i32>} : memref<16xi32, #tpu.memory_space<vmem>>, vector<16xi32>,
        %xor3A_195 = arith.constant 2 : i32
        %xor3A_196 = vector.broadcast %xor3A_195 : i32 to vector<16xi32>
        %xor3A_197 = arith.xori %iota3A_181, %xor3A_196 : vector<16xi32>
        %gather3A_198 = tpu.vector_load_idx %arg12[%xor3A_197] : memref<16xi32, #tpu.memory_space<vmem>>[vector<16xi32>], vector<16xi32>,
        %add3A_199 = arith.addi %add3A_192, %gather3A_198 : vector<16xi32>
        %swap3A_200 = arith.constant 0 : index
        %swap3A_201 = tpu.vector_load %arg12[%swap3A_200] {strides = array<i32>} : memref<16xi32, #tpu.memory_space<vmem>>, vector<16xi32>,
        tpu.vector_store %arg12[%swap3A_200], %add3A_199 {strides = array<i32>} : memref<16xi32, #tpu.memory_space<vmem>>, vector<16xi32>,
        %xor3A_202 = arith.constant 1 : i32
        %xor3A_203 = vector.broadcast %xor3A_202 : i32 to vector<16xi32>
        %xor3A_204 = arith.xori %iota3A_181, %xor3A_203 : vector<16xi32>
        %gather3A_205 = tpu.vector_load_idx %arg12[%xor3A_204] : memref<16xi32, #tpu.memory_space<vmem>>[vector<16xi32>], vector<16xi32>,
        %add3A_206 = arith.addi %add3A_199, %gather3A_205 : vector<16xi32>
        %convert_element_type3A_207 = arith.sitofp %add3A_206 : vector<16xi32> to vector<16xf32>
        %broadcast_in_dim3A_208 = vector.broadcast %add3A_121 : i32 to vector<16xi32>
        %gather3A_209 = tpu.vector_load_idx %arg8[%broadcast_in_dim3A_208] : memref<512xi32, #tpu.memory_space<vmem>>[vector<16xi32>], vector<16xi32>,
        %convert_element_type3A_210 = arith.sitofp %gather3A_209 : vector<16xi32> to vector<16xf32>
        %div3A = arith.constant 1.000000e+00 : f32
        %div3A_211 = vector.broadcast %div3A : f32 to vector<16xf32>
        %div3A_212 = arith.divf %div3A_211, %convert_element_type3A_210 : vector<16xf32>
        %mul3A_213 = arith.mulf %convert_element_type3A_207, %get3A_9 : vector<16xf32>
        %sub3A_214 = arith.subf %scan3A_128#0, %mul3A_213 : vector<16xf32>
        %mul3A_215 = arith.mulf %sub3A_214, %div3A_212 : vector<16xf32>
        %swap3A_216 = arith.index_cast %add3A_121 : i32 to index
        %swap3A_217 = arith.constant 0 : index
        %swap3A_218 = tpu.vector_load %arg11[%swap3A_216, %swap3A_217] {strides = array<i32>} : memref<512x64xf32, #tpu.memory_space<vmem>>, vector<16xf32>,
        tpu.vector_store %arg11[%swap3A_216, %swap3A_217], %mul3A_215 {strides = array<i32>} : memref<512x64xf32, #tpu.memory_space<vmem>>, vector<16xf32>,
        %mul3A_219 = arith.mulf %convert_element_type3A_207, %get3A_13 : vector<16xf32>
        %sub3A_220 = arith.subf %scan3A_128#1, %mul3A_219 : vector<16xf32>
        %mul3A_221 = arith.mulf %sub3A_220, %div3A_212 : vector<16xf32>
        %swap3A_222 = arith.index_cast %add3A_121 : i32 to index
        %swap3A_223 = arith.constant 16 : index
        %swap3A_224 = tpu.vector_load %arg11[%swap3A_222, %swap3A_223] {strides = array<i32>} : memref<512x64xf32, #tpu.memory_space<vmem>>, vector<16xf32>,
        tpu.vector_store %arg11[%swap3A_222, %swap3A_223], %mul3A_221 {strides = array<i32>} : memref<512x64xf32, #tpu.memory_space<vmem>>, vector<16xf32>,
        %mul3A_225 = arith.mulf %convert_element_type3A_207, %get3A_17 : vector<16xf32>
        %sub3A_226 = arith.subf %scan3A_128#2, %mul3A_225 : vector<16xf32>
        %mul3A_227 = arith.mulf %sub3A_226, %div3A_212 : vector<16xf32>
        %swap3A_228 = arith.index_cast %add3A_121 : i32 to index
        %swap3A_229 = arith.constant 32 : index
        %swap3A_230 = tpu.vector_load %arg11[%swap3A_228, %swap3A_229] {strides = array<i32>} : memref<512x64xf32, #tpu.memory_space<vmem>>, vector<16xf32>,
        tpu.vector_store %arg11[%swap3A_228, %swap3A_229], %mul3A_227 {strides = array<i32>} : memref<512x64xf32, #tpu.memory_space<vmem>>, vector<16xf32>,
        %mul3A_231 = arith.mulf %convert_element_type3A_207, %get3A_21 : vector<16xf32>
        %sub3A_232 = arith.subf %scan3A_128#3, %mul3A_231 : vector<16xf32>
        %mul3A_233 = arith.mulf %sub3A_232, %div3A_212 : vector<16xf32>
        %swap3A_234 = arith.index_cast %add3A_121 : i32 to index
        %swap3A_235 = arith.constant 48 : index
        %swap3A_236 = tpu.vector_load %arg11[%swap3A_234, %swap3A_235] {strides = array<i32>} : memref<512x64xf32, #tpu.memory_space<vmem>>, vector<16xf32>,
        tpu.vector_store %arg11[%swap3A_234, %swap3A_235], %mul3A_233 {strides = array<i32>} : memref<512x64xf32, #tpu.memory_space<vmem>>, vector<16xf32>,
      }
      %scan3A_117 = arith.constant 8 : i32
    }
    %scan3A_42 = arith.constant 32 : i32
    %mul3A_43 = arith.constant 512 : i32
    %mul3A_44 = arith.muli %add3A, %mul3A_43 : i32
    "tpu.region"() ({
      %run_scoped3A = tpu.sem_alloc : memref<!tpu.dma_semaphore, #tpu.memory_space<semaphore_mem>>
      %dma_start3A_45 = arith.constant 0 : i32
      %dma_start3A_46 = tpu.memref_slice %arg5[%mul3A_44, %dma_start3A_45] : memref<16384x64xf32, #tpu.memory_space<hbm>> -> memref<512x64xf32, #tpu.memory_space<hbm>>
      %dma_start3A_47 = arith.constant 0 : i32
      %dma_start3A_48 = tpu.memref_slice %arg5[%mul3A_44, %dma_start3A_47] : memref<16384x64xf32, #tpu.memory_space<hbm>> -> memref<512x64xf32, #tpu.memory_space<hbm>>
      tpu.enqueue_dma source(%arg11 : memref<512x64xf32, #tpu.memory_space<vmem>>) target(%dma_start3A_48 : memref<512x64xf32, #tpu.memory_space<hbm>>) target_semaphore(%run_scoped3A : memref<!tpu.dma_semaphore, #tpu.memory_space<semaphore_mem>>)
      %dma_wait3A = arith.constant 0 : i32
      %dma_wait3A_49 = tpu.memref_slice %arg5[%mul3A_44, %dma_wait3A] : memref<16384x64xf32, #tpu.memory_space<hbm>> -> memref<512x64xf32, #tpu.memory_space<hbm>>
      %dma_wait3A_50 = arith.constant 0 : i32
      %dma_wait3A_51 = tpu.memref_slice %arg5[%mul3A_44, %dma_wait3A_50] : memref<16384x64xf32, #tpu.memory_space<hbm>> -> memref<512x64xf32, #tpu.memory_space<hbm>>
      tpu.wait_dma2 semaphore(%run_scoped3A : memref<!tpu.dma_semaphore, #tpu.memory_space<semaphore_mem>>) src(%arg11 : memref<512x64xf32, #tpu.memory_space<vmem>>) dst(%dma_wait3A_51 : memref<512x64xf32, #tpu.memory_space<hbm>>)
      tpu.yield
    }) : () -> ()
    return
  }
}

</mosaic_0001>

<sc_bundles>
// kernel: _cbow_sc.3.cloned.1.call-start
scs
__scs_entry_jumppad:
0x0: {  	(pc) =	sbr.rel $0x88, $3  }
0x1: {  	(tag) =	ssettag $0x0;
	lr =	simm.s32 $0x1  }
0x2: {  	[smem:$0x3F9E] =	sst lr;
	_ =	strace $0xD0000000  }
0x3: {  	_ = 	snop  }
0x4: {  	_ = 	snop  }
0x5: {  	_ = 	snop  }
0x6: {  	_ = 	snop  }
0x7: {  	_ = 	snop  }
__scs_overlays_trampoline_lowered:
0x8: {  	[smem:$0x3FAD] =	sst s0  }
0x9: {  	[smem:$0x3FAE] =	sst s1  }
0xa: {  	[smem:$0x3FAF] =	sst s2  }
0xb: {  	[smem:$0x3FB0] =	sst s3  }
0xc: {  	[smem:$0x3FB1] =	sst s4  }
0xd: {  	[smem:$0x3FB2] =	sst s5  }
0xe: {  	[smem:$0x3FB3] =	sst s6  }
0xf: {  	[smem:$0x3FB4] =	sst s7  }
0x10: {  	[smem:$0x3FB5] =	sst s8  }
0x11: {  	[smem:$0x3FB6] =	sst s9;
	s0 =	simm.s32 @!p0 $0x0  }
0x12: {  	s1 =	sld [smem:$0x3F9C];
	s0 =	simm.s32 @p0 $0x1  }
0x13: {  	[smem:$0x3FB7] =	sst s0;
	s0 =	simm.s32 @!p1 $0x0  }
0x14: {  	s2 =	sld [smem:$0x3F9B];
	s0 =	simm.s32 @p1 $0x1  }
0x15: {  	[smem:$0x3FB8] =	sst s0;
	s0 =	simm.s32 @!p2 $0x0  }
0x16: {  	s3 =	sld [smem:$0x3FDB];
	s0 =	simm.s32 @p2 $0x1  }
0x17: {  	s4 =	simm.s32 $0x1BF5;
	[smem:$0x3FBA] =	sst s0  }
0x18: {  	s0 =	sld [smem:$0x3F9D];
	_ =	swait.ge [sflag:s4], $0x0  }
0x19: {  	s7 =	sld [smem:$0x3F9E]  }
0x1a: {  	s8 =	sadd.s32 $0xFFFFE003, lr  }
0x1b: {  	s9 =	sadd.s32 $0xFFFFFEF7, lr;
	s5 =	simm.s32 $0xFFFFFFFF;
	p2 =	slt.u32 s8, $0xFFFFF086  }
0x1c: {  	p1 =	slt.u32 s9, $0xF7A;
	s5 =	simm.s32 @!p2 $0x0  }
0x1d: {  	s5 =	simm.s32 @p1 $0x1;
	p0 =	seq.s32 s7, s2  }
0x1e: {  	s7 =	smul.u32 @!p0 $0xF7A, s2;
	p2 =	seq.s32 @!p0 s5, $0x0  }
0x1f: {  	s9 =	smul.u32 $0xF7A, s1;
	s8 =	simm.s32 @!p0 $0x1BF5;
	p2 =	por !p2, p0  }
0x20: {  	[sflag:s8] =	ssyncset.s32 @!p0 $0xFFFFF086;
	s6 =	sadd.s32 @!p0 s3, s7;
	s7 =	simm.s32 @!p0 $0x108  }
0x21: {  	s3 =	sadd.s32 s3, s9;
	s6 =	sadd.s32 @!p0 $0x88, s6;
	s7 =	simm.s32 @p2 $0x1082  }
0x22: {  	[simem:s7], [sflag:s8] =	dma.local @!p0 [hbm:s6], $0xF7A  }
0x23: {  	s9 =	sor.u32 $0xD0000000, s2;
	s6 =	simm.s32 $0x108;
	_ =	swait.ge @!p0 [sflag:s8], $0x0  }
0x24: {  	s3 =	sadd.s32 $0x88, s3;
	s6 =	simm.s32 @!p1 $0x1082;
	[sflag:s4] =	ssyncset.s32 $0xFFFFF086  }
0x25: {  	[simem:s6], [sflag:s4] =	dma.local [hbm:s3], $0xF7A  }
0x26: {  	[smem:$0x3F9E] =	sst s1;
	(tag) =	ssettag s2;
	_ =	strace s9  }
0x27: {  	s1 =	sld [smem:$0x3FAE]  }
0x28: {  	s2 =	sld [smem:$0x3FAF]  }
0x29: {  	s4 =	sld [smem:$0x3FB1]  }
0x2a: {  	p0 =	seq.s32 s5, $0x0;
	s5 =	sld [smem:$0x3FB2]  }
0x2b: {  	s6 =	sld [smem:$0x3FB3]  }
0x2c: {  	s7 =	sld [smem:$0x3FB4]  }
0x2d: {  	s3 =	simm.s32 $0x108;
	s8 =	sld [smem:$0x3FB5]  }
0x2e: {  	s3 =	simm.s32 @!p0 $0x1082;
	s9 =	sld [smem:$0x3FB6]  }
0x2f: {  	lr =	sadd.s32 s0, s3;
	s0 =	sld [smem:$0x3FAD]  }
0x30: {  	s3 =	sld [smem:$0x3FB0]  }
0x31: {  	[smem:$0x3FB9] =	sst s10  }
0x32: {  	s10 =	sld [smem:$0x3FB7];
	_ =	sdelay $0x3  }
0x33: {  	p0 =	seq.s32 s10, $0x1;
	s10 =	sld [smem:$0x3FB9];
	_ =	sdelay $0x3  }
0x34: {  	[smem:$0x3FB9] =	sst s10  }
0x35: {  	s10 =	sld [smem:$0x3FB8];
	_ =	sdelay $0x3  }
0x36: {  	p1 =	seq.s32 s10, $0x1;
	s10 =	sld [smem:$0x3FB9];
	_ =	sdelay $0x3  }
0x37: {  	[smem:$0x3FB9] =	sst s10  }
0x38: {  	s10 =	sld [smem:$0x3FBA]  }
0x39: {  	_ = 	snop;
	(pc) =	sbr.ind lr, $3  }
0x3a: {  	_ = 	snop  }
0x3b: {  	_ = 	snop  }
0x3c: {  	p2 =	seq.s32 s10, $0x1;
	s10 =	sld [smem:$0x3FB9]  }
0x3d: {  	_ =	shalt  }
0x3e: {  	_ =	shalt  }
0x3f: {  	_ =	shalt  }
0x40: {  	_ =	shalt  }
0x41: {  	_ =	shalt  }
0x42: {  	_ =	shalt  }
0x43: {  	_ =	shalt  }
0x44: {  	_ =	shalt  }
0x45: {  	_ =	shalt  }
0x46: {  	_ =	shalt  }
0x47: {  	_ =	shalt  }
0x48: {  	_ =	shalt  }
0x49: {  	_ =	shalt  }
0x4a: {  	_ =	shalt  }
0x4b: {  	_ =	shalt  }
0x4c: {  	_ =	shalt  }
0x4d: {  	_ =	shalt  }
0x4e: {  	_ =	shalt  }
0x4f: {  	_ =	shalt  }
0x50: {  	_ =	shalt  }
0x51: {  	_ =	shalt  }
0x52: {  	_ =	shalt  }
0x53: {  	_ =	shalt  }
0x54: {  	_ =	shalt  }
0x55: {  	_ =	shalt  }
0x56: {  	_ =	shalt  }
0x57: {  	_ =	shalt  }
0x58: {  	_ =	shalt  }
0x59: {  	_ =	shalt  }
0x5a: {  	_ =	shalt  }
0x5b: {  	_ =	shalt  }
0x5c: {  	_ =	shalt  }
0x5d: {  	_ =	shalt  }
0x5e: {  	_ =	shalt  }
0x5f: {  	_ =	shalt  }
0x60: {  	_ =	shalt  }
0x61: {  	_ =	shalt  }
0x62: {  	_ =	shalt  }
0x63: {  	_ =	shalt  }
0x64: {  	_ =	shalt  }
0x65: {  	_ =	shalt  }
0x66: {  	_ =	shalt  }
0x67: {  	_ =	shalt  }
0x68: {  	_ =	shalt  }
0x69: {  	_ =	shalt  }
0x6a: {  	_ =	shalt  }
0x6b: {  	_ =	shalt  }
0x6c: {  	_ =	shalt  }
0x6d: {  	_ =	shalt  }
0x6e: {  	_ =	shalt  }
0x6f: {  	_ =	shalt  }
0x70: {  	_ =	shalt  }
0x71: {  	_ =	shalt  }
0x72: {  	_ =	shalt  }
0x73: {  	_ =	shalt  }
0x74: {  	_ =	shalt  }
0x75: {  	_ =	shalt  }
0x76: {  	_ =	shalt  }
0x77: {  	_ =	shalt  }
0x78: {  	_ =	shalt  }
0x79: {  	_ =	shalt  }
0x7a: {  	_ =	shalt  }
0x7b: {  	_ =	shalt  }
0x7c: {  	_ =	shalt  }
0x7d: {  	_ =	shalt  }
0x7e: {  	_ =	shalt  }
0x7f: {  	_ =	shalt  }
0x80: {  	_ =	shalt  }
0x81: {  	_ =	shalt  }
0x82: {  	_ =	shalt  }
0x83: {  	_ =	shalt  }
0x84: {  	_ =	shalt  }
0x85: {  	_ =	shalt  }
0x86: {  	_ =	shalt  }
0x87: {  	_ =	shalt  }
.Lfunc_end0:
.L_simem_size_0:
called_computation_lowered:
.L_overlay_start_0:
0x88: {  	s2 =	sld [smem:$0x3FD9]  }
0x89: {  	s3 =	sld [smem:$0x3FFE];
	_ =	sdelay $0x1  }
0x8a: {  	s1 =	srdreg.scid  }
0x8b: {  	s0 =	sand.u32 $0x1, s1  }
0x8c: {  	s17 =	sshll.u32 s0, $0xA;
	s2 =	sadd.s32 s3, s2  }
0x8d: {  	s2 =	sadd.s32 s2, s17  }
0x8e: {  	[smem:$0x3FC5] =	sst s2  }
0x8f: {  	_ = 	snop  }
0x90: {  	s2 =	sld [smem:$0x3FC8]  }
0x91: {  	s18 =	sld [smem:$0x3FC7]  }
0x92: {  	s4 =	sld [smem:$0x3FD0];
	(tm) =	ssettm $0x1  }
0x93: {  	s5 =	sld [smem:$0x3FFB];
	_ =	sdelay $0x3  }
0x94: {  	_ =	strace s5  }
0x95: {  	s5 =	sld [smem:$0x3FFC];
	_ =	sdelay $0x3  }
0x96: {  	_ =	strace s5  }
0x97: {  	s5 =	sld [smem:$0x3FFD];
	_ =	sdelay $0x3  }
0x98: {  	_ =	strace s5  }
0x99: {  	_ =	strace $0x8FFFFFFF  }
0x9a: {  	s19 =	sld [smem:$0x3FDB];
	_ =	sdelay $0x1  }
0x9b: {  	s6 =	simm.s32 $_scs_section_size  }
0x9c: {  	s7 =	simm.s32 $_size__tile_overlayer_lowered;
	s8 =	simm.s32 $_tile_overlayer_lowered  }
0x9d: {  	s22 =	simm.s32 $0x1BFF;
	s21 =	sshll.u32 s8, $0x1;
	s5 =	sadd.s32 s6, s19  }
0x9e: {  	s9 =	simm.s32 $0x0;
	s20 =	sshll.u32 s7, $0x1;
	s7 =	sadd.s32 s21, s5  }
0x9f: {  	[timem:s9], [sflag:s22] =	dma.local [hbm:s7], s20  }
0xa0: {  	_ =	swait.ge [sflag:s22], s20  }
0xa1: {  	s6 =	ssub.s32 $0x0, s20;
	[sflag:s22] =	ssyncset.done $0x0  }
0xa2: {  	[sflag:s22] =	ssyncadd.s32 s6;
	_ =	sdelay $0x1  }
0xa3: {  	s23 =	simm.s32 $0x1B8B  }
0xa4: {  	_ =	swait.ge [sflag:s23], $0x1  }
0xa5: {  	[sflag:s23] =	ssyncset.done $0x0  }
0xa6: {  	s25 =	simm.s32 $0x1B8E;
	s24 =	sld [smem:$0x3FFE];
	[sflag:s23] =	ssyncadd.s32 $0xFFFFFFFF  }
0xa7: {  	s26 =	simm.s32 $execute0_lowered;
	[smem:$0x3FD2] =	sst s25  }
0xa8: {  	s7 =	sshll.u32 s26, $0x1;
	_ =	strace $0x80000046;
	[dreg:$0x1] =	wrdreg $0xFFFFFFFF  }
0xa9: {  	s28 =	simm.s32 $_size_execute0_lowered;
	s5 =	sadd.s32 s5, s7;
	[dreg:$0x0] =	wrdreg $0x0  }
0xaa: {  	s7 =	sshll.u32 s28, $0x1;
	[dreg:$0x2] =	wrdreg s5  }
0xab: {  	[dreg:$0x3] =	wrdreg s7  }
0xac: {  	[dreg:$0x4] =	wrdreg $0xC0  }
0xad: {  	_ =	task [dreg:s9], $0x5FFFF  }
0xae: {  	[dreg:$0x1] =	wrdreg $0xFFFFFFFF  }
0xaf: {  	[dreg:$0x0] =	wrdreg $0x60  }
0xb0: {  	[dreg:$0x2] =	wrdreg s24  }
0xb1: {  	[dreg:$0x3] =	wrdreg s2  }
0xb2: {  	[dreg:$0x4] =	wrdreg s18  }
0xb3: {  	[dreg:$0x5] =	wrdreg s4  }
0xb4: {  	[dreg:$0x6] =	wrdreg $0x9  }
0xb5: {  	_ =	task.clear_ibuf [dreg:s9], $0x7FFFF;
	_ =	strace $0x90000046  }
0xb6: {  	s29 =	simm.s32 $0x9;
	_ =	strace $0x80000048  }
0xb7: {  	_ =	swait.ge [sflag:s29], $0x1  }
0xb8: {  	[sflag:s29] =	ssyncadd.s32 $0xFFFFFFFF  }
0xb9: {  	_ =	strace $0x90000048  }
0xba: {  	_ =	sfence  }
0xbb: {  	s30 =	sld [smem:$0x0];
	_ =	sdelay $0x2  }
0xbc: {  	s31 =	sshll.u32 s1, $0xD;
	s1 =	sshrl.u32 s1, $0x2  }
0xbd: {  	s3 =	sand.u32 $0x4000, s31;
	s1 =	sadd.s32 s1, s30  }
0xbe: {  	s0 =	sor.u32 s3, s0;
	s1 =	sshll.u32 s1, $0x11  }
0xbf: {  	s0 =	sor.u32 s1, s0  }
0xc0: {  	s0 =	sadd.s32 $0x8F2B, s0  }
0xc1: {  	[sflag:s0] =	ssyncadd.remote.s32 $0x1  }
0xc2: {  	_ =	sfence.sel $0xFFFF  }
0xc3: {  	[dreg:$0x0] =	wrdreg $0xFFFFFFFF;
	(pc) =	sbr.abs _section_cstart, $3  }
0xc4: {  	[dreg:$0x1] =	wrdreg $0xFFFFFFFF  }
0xc5: {  	_ =	task.clear_ibuf [dreg:s9], $0x2FFFF;
	_ =	strace $0x9FFFFFFF  }
0xc6: {  	(tm) =	ssettm $0x7FFFFFFF  }
0xc7: {  	_ =	shalt  }
tec
execute0_lowered:
.L_overlay_start_1:
0x0: {  	(tag) =	ssettag $0x1  }
0x1: {  	s1 =	rddreg [dreg:$0x0]  }
0x2: {  	s2 =	rddreg [dreg:$0x1]  }
0x3: {  	s5 =	rddreg [dreg:$0x2];
	v0 =	vimm.s32 $0x76543210  }
0x4: {  	s7 =	rddreg [dreg:$0x3];
	v1 =	vimm.s32 $0xFEDCBA98;
	v2 =	vimm.s32 $0xBA98FEDC;
	v3 =	vimm.s32 $0x32107654  }
0x5: {  	s0 =	simm.s32 $0x0;
	s3 =	srdreg.scid;
	s4 =	stileid.u32;
	v4 =	vimm.s32 $0xDCFE98BA;
	v5 =	vimm.s32 $0x54761032;
	v6 =	vimm.s32 $0xEFCDAB89  }
0x6: {  	v7 =	vimm.s32 $0x67452301;
	s10 =	simm.s32 $0x8320;
	s12 =	simm.s32 $0x8000;
	s13 =	simm.s32 $0x190  }
0x7: {  	s14 =	simm.s32 $0x8560;
	s15 =	simm.s32 $0x8190;
	s16 =	simm.s32 $0xE960;
	v0 =	vunpack.c.l.s4.s8 v0;
	v1 =	vunpack.c.l.s4.s8 v1;
	v2 =	vunpack.c.l.s4.s8 v2  }
0x8: {  	s17 =	simm.s32 $0x1;
	s18 =	simm.s32 $0x1CD60;
	s19 =	simm.s32 $0x2;
	v3 =	vunpack.c.l.s4.s8 v3;
	v4 =	vunpack.c.l.s4.s8 v4;
	v5 =	vunpack.c.l.s4.s8 v5  }
0x9: {  	s20 =	simm.s32 $0x14D60;
	s21 =	simm.s32 $0x0;
	s3 =	sand.u32 $0x1, s3;
	v6 =	vunpack.c.l.s4.s8 v6;
	v7 =	vunpack.c.l.s4.s8 v7;
	v2 =	vunpack.c.0.s8.s32 v2  }
0xa: {  	[smem:$0x7FF] =	sst s0;
	s4 =	sshll.u32 s4, $0xA;
	s6 =	sshll.u32 s3, $0x9;
	v3 =	vunpack.c.0.s8.s32 v3;
	v4 =	vunpack.c.0.s8.s32 v4;
	v5 =	vunpack.c.0.s8.s32 v5  }
0xb: {  	_ =	strace $0x80000047;
	s8 =	ssub.s32 $0x2, s3;
	s9 =	sor.u32 s6, s4;
	v1 =	vunpack.c.0.s8.s32 v1;
	v6 =	vunpack.c.0.s8.s32 v6;
	v7 =	vunpack.c.0.s8.s32 v7  }
0xc: {  	vm0 =	vcmask $0x3F38;
	s3 =	sadd.s32 $0xF42800, s1;
	s29 =	sshrl.u32 s8, $0x1;
	s4 =	sshll.u32 s9, $0x4;
	v3 =	vcombine.low v3, v2;
	v2 =	vunpack.c.0.s8.s32 v0  }
0xd: {  	s1 =	ssub.s32 s8, s29;
	s30 =	sshrl.u32 s9, $0x3;
	s31 =	sshll.u32 s9, $0x3;
	v4 =	vcombine.low v5, v4;
	v5 =	vand.u32 $0xF, v1;
	v6 =	vcombine.low v7, v6  }
0xe: {  	s9 =	simm.s32 $0x3;
	s4 =	sadd.s32 s2, s4;
	s5 =	sadd.s32 s5, s30;
	v0 =	vlaneseq.u32;
	v1 =	vimm.s32 $0x0;
	v2 =	vcombine.low v5, v2  }
0xf: {  	s7 =	sadd.s32 s7, s31;
	s8 =	smax.u32 s1, $0x1;
	s6 =	sadd.s32 $0x1000, s4;
	v3 =	vand.u32 $0xF, v3;
	v4 =	vand.u32 $0xF, v4;
	v5 =	vand.u32 $0xF, v6  }
.LBB2_1:
0x10: {  	[tilespmem:s0], [sflag:$0x3] =	stream.linear.gather [hbm4b:s4+s0], $0x8000, $0x38;
	[tilespmem:$0x1CD70] =	vst v63  }
0x11: {  	_ =	swait.ge [sflag:s9], $0x8000  }
0x12: {  	[sflag:s9] =	ssyncset.done $0x0  }
0x13: {  	[sflag:s9] =	ssyncadd.s32 $0xFFFF8000  }
0x14: {  	[tilespmem:s10], [sflag:$0x3] =	stream.linear.gather [hbm4b:s5+s0], $0x200, $0x38;
	[tilespmem:$0x1CD70] =	vst v63  }
0x15: {  	_ =	swait.ge [sflag:s9], $0x200  }
0x16: {  	[sflag:s9] =	ssyncset.done $0x0  }
0x17: {  	s1 =	simm.s32 $0x8520;
	[sflag:s9] =	ssyncadd.s32 $0xFFFFFE00  }
0x18: {  	[tilespmem:s1], [sflag:$0x3] =	stream.linear.gather [hbm4b:s3+s0], $0x40, $0x38;
	[tilespmem:$0x1CD70] =	vst v63  }
0x19: {  	_ =	swait.ge [sflag:s9], $0x40  }
0x1a: {  	[sflag:s9] =	ssyncset.done $0x0  }
0x1b: {  	[sflag:s9] =	ssyncadd.s32 $0xFFFFFFC0  }
0x1c: {  	v6 =	vld [tilespmem:$0x8520]  }
0x1d: {  	v7 =	vld [tilespmem:$0x8530]  }
0x1e: {  	s2 =	simm.s32 $0x20;
	v8 =	vld [tilespmem:$0x8540]  }
0x1f: {  	s22 =	simm.s32 $0x0;
	s11 =	simm.s32 $0x54;
	s1 =	simm.s32 $0x22;
	v9 =	vld [tilespmem:$0x8550]  }
.LBB2_2:
0x20: {  	p0 =	sne.s32 s11, $0x180;
	v10 =	vld [tilespmem:s2+$0xFFFFFFE0];
	v11 =	vadd.s32 s22, v0;
	_ =	sdelay $0x4  }
0x21: {  	s22 =	sadd.s32 $0xFFFFFFEE, s1;
	[tilespmem:v11+s12+$0x0] =	vst.idx.msk $0xffff, v10  }
0x22: {  	v11 =	vadd.s32 s22, v0;
	v10 =	vld [tilespmem:s2+$0xFFFFFFF0];
	_ =	sdelay $0x4  }
0x23: {  	s22 =	sadd.s32 $0xFFFFFFFE, s1;
	[tilespmem:v11+s12+$0x0] =	vst.idx.msk $0xffff, v10  }
0x24: {  	v11 =	vadd.s32 s22, v0;
	v10 =	vld [tilespmem:s2+$0x0];
	_ =	sdelay $0x4  }
0x25: {  	[tilespmem:v11+s12+$0x0] =	vst.idx.msk $0xffff, v10  }
0x26: {  	v11 =	vadd.s32 s1, v0;
	s1 =	smov.u32 s11;
	v10 =	vld [tilespmem:s2+$0x2]  }
.Ltmp0:
0x27: {  	(pc) =	sbr.rel @p0 .LBB2_2-.Ltmp0, $2  }
0x28: {  	_ =	sdelay $0x2  }
0x29: {  	s11 =	sadd.s32 $0x32, s11;
	s22 =	sadd.s32 $0xFFFFFFDE, s1;
	s2 =	sadd.s32 $0x80, s2;
	[tilespmem:v11+s12+$0x0] =	vst.idx.msk $0xffff, v10  }
0x2a: {  	v10 =	vld [tilespmem:s2+$0xFFFFFFE0];
	v11 =	vadd.s32 s22, v0;
	_ =	sdelay $0x4  }
0x2b: {  	s11 =	sadd.s32 $0xFFFFFFEE, s1;
	[tilespmem:v11+s12+$0x0] =	vst.idx.msk $0xffff, v10  }
0x2c: {  	v11 =	vadd.s32 s11, v0;
	v10 =	vld [tilespmem:s2+$0xFFFFFFF0];
	_ =	sdelay $0x4  }
0x2d: {  	s31 =	sadd.s32 $0xFFFFFFFE, s1;
	[tilespmem:v11+s12+$0x0] =	vst.idx.msk $0xffff, v10  }
0x2e: {  	v11 =	vadd.s32 s31, v0;
	v10 =	vld [tilespmem:s2+$0x0];
	_ =	sdelay $0x4  }
0x2f: {  	[tilespmem:v11+s12+$0x0] =	vst.idx.msk $0xffff, v10  }
0x30: {  	v11 =	vadd.s32 s1, v0;
	v10 =	vld [tilespmem:s2+$0x2];
	_ =	sdelay $0x4  }
0x31: {  	s22 =	simm.s32 $0x0;
	s23 =	simm.s32 $0x1;
	s24 =	simm.s32 $0x0;
	[tilespmem:v11+s12+$0x0] =	vst.idx.msk $0xffff, v10  }
0x32: {  	[tilespmem:s14], [sflag:$0x1] =	stream.indirect.gather [hbm4b:s3+s13], $0x40, s12, s13, $0xb8;
	[tilespmem:$0x1CD70] =	vst v63  }
.LBB2_4:
0x33: {  	s1 =	sand.u32 $0xF, s23;
	s2 =	sand.u32 $0x1F, s22  }
0x34: {  	s1 =	sshll.u32 s1, $0xB;
	s2 =	sshll.u32 s2, $0xA  }
0x35: {  	s26 =	sor.u32 $0x20, s1;
	s1 =	sadd.s32 $0x422, s2;
	s2 =	simm.s32 $0x190  }
0x36: {  	s28 =	sshll.u32 s24, $0x1;
	s25 =	sshllo.u32 s24, $0x1;
	s11 =	simm.s32 $0x1C2;
	v10 =	vld [tilespmem:s1+$0xFFFFFFDE];
	v11 =	vadd.s32 s2, v0  }
.LBB2_5:
0x37: {  	p0 =	sne.s32 s11, $0x2EE;
	_ =	sdelay $0x3  }
0x38: {  	s29 =	sadd.s32 $0x10, s2;
	[tilespmem:v11+s12+$0x0] =	vst.idx.msk $0xffff, v10  }
0x39: {  	v11 =	vadd.s32 s29, v0;
	v10 =	vld [tilespmem:s1+$0xFFFFFFEE];
	_ =	sdelay $0x4  }
0x3a: {  	s29 =	sadd.s32 $0x20, s2;
	[tilespmem:v11+s12+$0x0] =	vst.idx.msk $0xffff, v10  }
0x3b: {  	v11 =	vadd.s32 s29, v0;
	v10 =	vld [tilespmem:s1+$0xFFFFFFFE];
	_ =	sdelay $0x4  }
0x3c: {  	s29 =	sadd.s32 $0x22, s2;
	s2 =	smov.u32 s11;
	[tilespmem:v11+s12+$0x0] =	vst.idx.msk $0xffff, v10  }
0x3d: {  	v11 =	vadd.s32 s29, v0;
	v10 =	vld [tilespmem:s1+$0x0];
	_ =	sdelay $0x1  }
.Ltmp1:
0x3e: {  	(pc) =	sbr.rel @p0 .LBB2_5-.Ltmp1, $3  }
0x3f: {  	_ =	sdelay $0x1  }
0x40: {  	s1 =	sadd.s32 $0x80, s1;
	[tilespmem:v11+s12+$0x0] =	vst.idx.msk $0xffff, v10  }
0x41: {  	s11 =	sadd.s32 $0x32, s11;
	v11 =	vadd.s32 s2, v0;
	v10 =	vld [tilespmem:s1+$0xFFFFFFDE]  }
0x42: {  	_ =	sdelay $0x3  }
0x43: {  	s11 =	sadd.s32 $0x10, s2;
	[tilespmem:v11+s12+$0x0] =	vst.idx.msk $0xffff, v10  }
0x44: {  	v11 =	vadd.s32 s11, v0;
	v10 =	vld [tilespmem:s1+$0xFFFFFFEE];
	_ =	sdelay $0x4  }
0x45: {  	s11 =	sadd.s32 $0x20, s2;
	[tilespmem:v11+s12+$0x0] =	vst.idx.msk $0xffff, v10  }
0x46: {  	v11 =	vadd.s32 s11, v0;
	v10 =	vld [tilespmem:s1+$0xFFFFFFFE];
	_ =	sdelay $0x4  }
0x47: {  	s11 =	sadd.s32 $0x22, s2;
	[tilespmem:v11+s12+$0x0] =	vst.idx.msk $0xffff, v10  }
0x48: {  	v11 =	vadd.s32 s11, v0;
	v10 =	vld [tilespmem:s1+$0x0];
	_ =	sdelay $0x4  }
0x49: {  	[tilespmem:v11+s12+$0x0] =	vst.idx.msk $0xffff, v10  }
0x4a: {  	[tilespmem:s16], [sflag:$0x2] =	stream.indirect.gather [hbm4b:s3+s13], $0x40, s15, s13, $0xb8;
	[tilespmem:$0x1CD70] =	vst v63  }
0x4b: {  	_ =	swait.ge [sflag:s17], $0x6400  }
0x4c: {  	s29 =	sshll.u32 s24, $0x4;
	[sflag:s17] =	ssyncset.done $0x0  }
0x4d: {  	s30 =	simm.s32 $0x0;
	s31 =	simm.s32 $0x8600;
	[sflag:s17] =	ssyncadd.s32 $0xFFFF9C00  }
.LBB2_7:
0x4e: {  	v16 =	vmov s31;
	_ =	sdelay $0x3  }
0x4f: {  	s2 =	simm.s32 $0x0  }
0x50: {  	v11 =	vld.idx.msk [tilespmem:v16+s2+$0x60 ss:$0x1], $0xffff  }
0x51: {  	v12 =	vld.idx.msk [tilespmem:v16+s2+$0x70 ss:$0x1], $0xffff  }
0x52: {  	v13 =	vld.idx.msk [tilespmem:v16+s2+$0x20 ss:$0x1], $0xffff  }
0x53: {  	v10 =	vld.idx.msk [tilespmem:v16+s2+$0x30 ss:$0x1], $0xffff  }
0x54: {  	v14 =	vld.idx.msk [tilespmem:v16+s2+$0xFFFFFFE0 ss:$0x1], $0xffff  }
0x55: {  	v15 =	vld.idx.msk [tilespmem:v16+s2+$0xFFFFFFF0 ss:$0x1], $0xffff  }
0x56: {  	v17 =	vld.idx.msk [tilespmem:v16+s2+$0xFFFFFFA0 ss:$0x1], $0xffff  }
0x57: {  	v18 =	vld.idx.msk [tilespmem:v16+s2+$0xFFFFFFB0 ss:$0x1], $0xffff  }
0x58: {  	v23 =	vld.idx.msk [tilespmem:v16+s2+$0xFFFFFF60 ss:$0x1], $0xffff  }
0x59: {  	v19 =	vimm.f32 $0.0e+00;
	v24 =	vld.idx.msk [tilespmem:v16+s2+$0xFFFFFF70 ss:$0x1], $0xffff  }
0x5a: {  	s1 =	smul.u32 $0x32, s30;
	s11 =	simm.s32 $0x500;
	v21 =	vimm.f32 $0.0e+00;
	v22 =	vimm.f32 $0.0e+00;
	v20 =	vimm.f32 $0.0e+00;
	v25 =	vld.idx.msk [tilespmem:v16+s2+$0xFFFFFF80 ss:$0x1], $0xffff  }
.LBB2_8:
0x5b: {  	p0 =	sne.s32 s11, $0x2D00;
	v26 =	vld.idx.msk [tilespmem:v16+s2+$0xFFFFFF90 ss:$0x1], $0xffff  }
0x5c: {  	v27 =	vld.idx.msk [tilespmem:v16+s2+$0xFFFFFFC0 ss:$0x1], $0xffff  }
0x5d: {  	v28 =	vld.idx.msk [tilespmem:v16+s2+$0xFFFFFFD0 ss:$0x1], $0xffff  }
0x5e: {  	v29 =	vld.idx.msk [tilespmem:v16+s2+$0x0 ss:$0x1], $0xffff  }
0x5f: {  	v30 =	vld.idx.msk [tilespmem:v16+s2+$0x10 ss:$0x1], $0xffff  }
0x60: {  	v19 =	vadd.f32 v23, v19;
	v21 =	vadd.f32 v24, v21;
	v23 =	vld.idx.msk [tilespmem:v16+s2+$0x40 ss:$0x1], $0xffff  }
0x61: {  	v22 =	vadd.f32 v25, v22;
	v20 =	vadd.f32 v26, v20;
	v24 =	vld.idx.msk [tilespmem:v16+s2+$0x50 ss:$0x1], $0xffff  }
0x62: {  	v17 =	vadd.f32 v17, v19;
	v18 =	vadd.f32 v18, v21;
	v25 =	vld.idx.msk [tilespmem:v16+s2+$0x80 ss:$0x1], $0xffff  }
0x63: {  	v19 =	vadd.f32 v27, v22;
	v20 =	vadd.f32 v28, v20;
	v26 =	vld.idx.msk [tilespmem:v16+s2+$0x90 ss:$0x1], $0xffff;
	s2 =	sshra.s32 s11, $0x2  }
0x64: {  	v14 =	vadd.f32 v14, v17;
	v15 =	vadd.f32 v15, v18;
	v27 =	vld.idx.msk [tilespmem:v16+s2+$0x60 ss:$0x1], $0xffff  }
0x65: {  	v17 =	vadd.f32 v29, v19;
	v18 =	vadd.f32 v30, v20;
	v28 =	vld.idx.msk [tilespmem:v16+s2+$0x70 ss:$0x1], $0xffff  }
0x66: {  	v19 =	vadd.f32 v13, v14;
	v15 =	vadd.f32 v10, v15;
	v13 =	vld.idx.msk [tilespmem:v16+s2+$0x20 ss:$0x1], $0xffff  }
0x67: {  	v17 =	vadd.f32 v23, v17;
	v18 =	vadd.f32 v24, v18;
	v10 =	vld.idx.msk [tilespmem:v16+s2+$0x30 ss:$0x1], $0xffff  }
0x68: {  	v19 =	vadd.f32 v11, v19;
	v21 =	vadd.f32 v12, v15;
	v14 =	vld.idx.msk [tilespmem:v16+s2+$0xFFFFFFE0 ss:$0x1], $0xffff  }
0x69: {  	v22 =	vadd.f32 v25, v17;
	v20 =	vadd.f32 v26, v18;
	v15 =	vld.idx.msk [tilespmem:v16+s2+$0xFFFFFFF0 ss:$0x1], $0xffff  }
.Ltmp2:
0x6a: {  	v11 =	vmov v27;
	v17 =	vld.idx.msk [tilespmem:v16+s2+$0xFFFFFFA0 ss:$0x1], $0xffff;
	(pc) =	sbr.rel @p0 .LBB2_8-.Ltmp2, $4  }
0x6b: {  	v12 =	vmov v28;
	v18 =	vld.idx.msk [tilespmem:v16+s2+$0xFFFFFFB0 ss:$0x1], $0xffff  }
0x6c: {  	v23 =	vld.idx.msk [tilespmem:v16+s2+$0xFFFFFF60 ss:$0x1], $0xffff  }
0x6d: {  	v24 =	vld.idx.msk [tilespmem:v16+s2+$0xFFFFFF70 ss:$0x1], $0xffff  }
0x6e: {  	s11 =	sadd.s32 $0x500, s11;
	v25 =	vld.idx.msk [tilespmem:v16+s2+$0xFFFFFF80 ss:$0x1], $0xffff  }
0x6f: {  	v27 =	vld [tilespmem:s1+$0x8000]  }
0x70: {  	s11 =	sand.u32 $0x1FE, s1;
	v30 =	vld [tilespmem:s1+$0x8022]  }
0x71: {  	v28 =	vld [tilespmem:s11+$0x8010]  }
0x72: {  	v29 =	vld [tilespmem:s11+$0x8020]  }
0x73: {  	v26 =	vld.idx.msk [tilespmem:v16+s2+$0xFFFFFF90 ss:$0x1], $0xffff  }
0x74: {  	v31 =	vld.idx.msk [tilespmem:v16+s2+$0xFFFFFFC0 ss:$0x1], $0xffff  }
0x75: {  	v32 =	vld.idx.msk [tilespmem:v16+s2+$0xFFFFFFD0 ss:$0x1], $0xffff;
	vm1 =	veq.s32 v27, $0x0  }
0x76: {  	v33 =	vld.idx.msk [tilespmem:v16+s2+$0x0 ss:$0x1], $0xffff;
	v34 =	vsel vm1, $0x1, v1;
	vm1 =	veq.s32 v28, $0x0  }
0x77: {  	v41 =	vld.idx.msk [tilespmem:v16+s2+$0x10 ss:$0x1], $0xffff;
	vm2 =	veq.s32 v30, $0x0;
	v35 =	vsel vm1, $0x1, v1;
	vm1 =	veq.s32 v29, $0x0  }
0x78: {  	v42 =	vld.idx.msk [tilespmem:v16+s2+$0x40 ss:$0x1], $0xffff;
	v29 =	vsel vm1, $0x1, v1;
	v34 =	vadd.s32 v34, v35;
	vm1 =	vmand vm2, vm0  }
0x79: {  	v43 =	vld.idx.msk [tilespmem:v16+s2+$0x50 ss:$0x1], $0xffff;
	v29 =	vadd.s32 v29, v34;
	v45 =	vsel vm1, $0x1, v1  }
0x7a: {  	v44 =	vld.idx.msk [tilespmem:v16+s2+$0x80 ss:$0x1], $0xffff;
	v29 =	vadd.s32 v45, v29  }
0x7b: {  	v46 =	vld.idx.msk [tilespmem:v16+s2+$0x90 ss:$0x1], $0xffff;
	[tilespmem:$0x1CD60] =	vst v29  }
0x7c: {  	v47 =	vld.idx.msk [tilespmem:v2+s18+$0x0], $0xffff;
	_ =	sdelay $0x4  }
0x7d: {  	v29 =	vadd.s32 v47, v29  }
0x7e: {  	[tilespmem:$0x1CD60] =	vst v29  }
0x7f: {  	v48 =	vld.idx.msk [tilespmem:v3+s18+$0x0], $0xffff;
	_ =	sdelay $0x4  }
0x80: {  	v29 =	vadd.s32 v48, v29  }
0x81: {  	[tilespmem:$0x1CD60] =	vst v29  }
0x82: {  	v49 =	vld.idx.msk [tilespmem:v4+s18+$0x0], $0xffff  }
0x83: {  	s11 =	sadd.s32 s29, s30  }
0x84: {  	v36 =	vmov s11;
	_ =	sdelay $0x2  }
0x85: {  	v29 =	vadd.s32 v49, v29  }
0x86: {  	[tilespmem:$0x1CD60] =	vst v29  }
0x87: {  	v50 =	vld.idx.msk [tilespmem:v36+s10+$0x0], $0xffff;
	_ =	sdelay $0x4  }
0x88: {  	v19 =	vadd.f32 v23, v19;
	v51 =	vld.idx.msk [tilespmem:v5+s18+$0x0], $0xffff;
	v34 =	vcvt.s32.f32 v50  }
0x89: {  	v21 =	vadd.f32 v24, v21  }
0x8a: {  	v22 =	vadd.f32 v25, v22;
	v17 =	vadd.f32 v17, v19;
	(erf) = vrcp.f32 v34  }
0x8b: {  	v52 =	vadd.f32 v26, v20;
	v18 =	vadd.f32 v18, v21  }
0x8c: {  	v53 =	vadd.f32 v31, v22;
	v14 =	vadd.f32 v14, v17  }
0x8d: {  	v54 =	vadd.f32 v32, v52;
	v15 =	vadd.f32 v15, v18;
	v55 =	vadd.s32 v29, v51  }
0x8e: {  	v56 =	vadd.f32 v33, v53;
	v13 =	vadd.f32 v13, v14;
	v57 =	vcvt.s32.f32 v55  }
0x8f: {  	v17 =	vadd.f32 v41, v54;
	v10 =	vadd.f32 v10, v15  }
0x90: {  	v58 =	vadd.f32 v42, v56;
	v11 =	vadd.f32 v11, v13;
	v59 =	vmul.f32 v57, v6  }
0x91: {  	v17 =	vadd.f32 v43, v17;
	v10 =	vadd.f32 v12, v10;
	v60 =	vmul.f32 v57, v7  }
0x92: {  	v15 =	vadd.f32 v44, v58;
	v61 =	vmul.f32 v57, v8;
	v11 =	vsub.f32 v11, v59  }
0x93: {  	s30 =	sadd.s32 $0x1, s30;
	v16 =	vadd.f32 v46, v17;
	v63 =	vmul.f32 v57, v9;
	v10 =	vsub.f32 v10, v60;
	v62 =	vpop (erf)  }
0x94: {  	s1 =	sshll.u32 s11, $0x6;
	p0 =	sne.s32 s30, $0x8;
	v13 =	vsub.f32 v15, v61;
	v11 =	vmul.f32 v11, v62  }
.Ltmp3:
0x95: {  	s1 =	sand.u32 $0x3FFFFFC0, s1;
	v12 =	vsub.f32 v16, v63;
	v10 =	vmul.f32 v10, v62;
	(pc) =	sbr.rel @p0 .LBB2_7-.Ltmp3, $4  }
0x96: {  	[tilespmem:s1+$0x14D60] =	vst v11;
	v11 =	vmul.f32 v13, v62  }
0x97: {  	[tilespmem:s1+$0x14D70] =	vst v10;
	v10 =	vmul.f32 v12, v62  }
0x98: {  	[tilespmem:s1+$0x14D80] =	vst v11  }
0x99: {  	s31 =	sadd.s32 $0xC80, s31;
	[tilespmem:s1+$0x14D90] =	vst v10  }
0x9a: {  	p0 =	sne.s32 s28, $0x1E  }
0x9b: {  	p1 =	seq.s32 s24, $0x1F;
	s1 =	simm.s32 @!p0 $0x0  }
0x9c: {  	[tilespmem:s1], [sflag:$0x3] =	stream.linear.gather @!p0 [hbm4b:s6+s1], $0x8000, $0x38;
	[tilespmem:$0x1CD70] =	vst v63  }
.Ltmp4:
0x9d: {  	_ = 	snop;
	(pc) =	sbr.rel @p1 .LBB2_14-.Ltmp4, $4  }
0x9e: {  	s1 =	simm.s32 @!p0 $0x3  }
0x9f: {  	_ =	swait.ge @!p0 [sflag:s1], $0x8000  }
0xa0: {  	[sflag:s1] =	ssyncset.done @!p0 $0x0  }
0xa1: {  	[sflag:s1] =	ssyncadd.s32 @!p0 $0xFFFF8000;
	s1 =	simm.s32 $0x22  }
0xa2: {  	s11 =	simm.s32 $0x0;
	s2 =	simm.s32 $0x54  }
.LBB2_12:
0xa3: {  	p0 =	sne.s32 s2, $0x180;
	v10 =	vld [tilespmem:s26+$0xFFFFFFE0];
	v11 =	vadd.s32 s11, v0;
	_ =	sdelay $0x4  }
0xa4: {  	s11 =	sadd.s32 $0xFFFFFFEE, s1;
	[tilespmem:v11+s12+$0x0] =	vst.idx.msk $0xffff, v10  }
0xa5: {  	v11 =	vadd.s32 s11, v0;
	v10 =	vld [tilespmem:s26+$0xFFFFFFF0];
	_ =	sdelay $0x4  }
0xa6: {  	s11 =	sadd.s32 $0xFFFFFFFE, s1;
	[tilespmem:v11+s12+$0x0] =	vst.idx.msk $0xffff, v10  }
0xa7: {  	v11 =	vadd.s32 s11, v0;
	v10 =	vld [tilespmem:s26+$0x0];
	_ =	sdelay $0x4  }
0xa8: {  	[tilespmem:v11+s12+$0x0] =	vst.idx.msk $0xffff, v10  }
0xa9: {  	v11 =	vadd.s32 s1, v0;
	s1 =	smov.u32 s2;
	v10 =	vld [tilespmem:s26+$0x2]  }
.Ltmp5:
0xaa: {  	(pc) =	sbr.rel @p0 .LBB2_12-.Ltmp5, $2  }
0xab: {  	_ =	sdelay $0x2  }
0xac: {  	s2 =	sadd.s32 $0x32, s2;
	s11 =	sadd.s32 $0xFFFFFFDE, s1;
	s26 =	sadd.s32 $0x80, s26;
	[tilespmem:v11+s12+$0x0] =	vst.idx.msk $0xffff, v10  }
0xad: {  	v10 =	vld [tilespmem:s26+$0xFFFFFFE0];
	v11 =	vadd.s32 s11, v0;
	_ =	sdelay $0x4  }
0xae: {  	s2 =	sadd.s32 $0xFFFFFFEE, s1;
	[tilespmem:v11+s12+$0x0] =	vst.idx.msk $0xffff, v10  }
0xaf: {  	v11 =	vadd.s32 s2, v0;
	v10 =	vld [tilespmem:s26+$0xFFFFFFF0];
	_ =	sdelay $0x4  }
0xb0: {  	s31 =	sadd.s32 $0xFFFFFFFE, s1;
	[tilespmem:v11+s12+$0x0] =	vst.idx.msk $0xffff, v10  }
0xb1: {  	v11 =	vadd.s32 s31, v0;
	v10 =	vld [tilespmem:s26+$0x0];
	_ =	sdelay $0x4  }
0xb2: {  	[tilespmem:v11+s12+$0x0] =	vst.idx.msk $0xffff, v10  }
0xb3: {  	v11 =	vadd.s32 s1, v0;
	v10 =	vld [tilespmem:s26+$0x2];
	_ =	sdelay $0x4  }
0xb4: {  	[tilespmem:v11+s12+$0x0] =	vst.idx.msk $0xffff, v10  }
0xb5: {  	[tilespmem:s14], [sflag:$0x1] =	stream.indirect.gather [hbm4b:s3+s13], $0x40, s12, s13, $0xb8;
	[tilespmem:$0x1CD70] =	vst v63  }
.LBB2_14:
0xb6: {  	_ =	swait.ge [sflag:s19], $0x6400  }
0xb7: {  	s25 =	sshll.u32 s25, $0x3;
	[sflag:s19] =	ssyncset.done $0x0  }
0xb8: {  	s26 =	simm.s32 $0x0;
	s28 =	simm.s32 $0x8560;
	[sflag:s19] =	ssyncadd.s32 $0xFFFF9C00  }
.LBB2_15:
0xb9: {  	v16 =	vmov s28;
	_ =	sdelay $0x3  }
0xba: {  	s2 =	simm.s32 $0x0  }
0xbb: {  	v11 =	vld.idx.msk [tilespmem:v16+s2+$0x6500 ss:$0x1], $0xffff  }
0xbc: {  	v12 =	vld.idx.msk [tilespmem:v16+s2+$0x6510 ss:$0x1], $0xffff  }
0xbd: {  	v13 =	vld.idx.msk [tilespmem:v16+s2+$0x64C0 ss:$0x1], $0xffff  }
0xbe: {  	v10 =	vld.idx.msk [tilespmem:v16+s2+$0x64D0 ss:$0x1], $0xffff  }
0xbf: {  	v14 =	vld.idx.msk [tilespmem:v16+s2+$0x6480 ss:$0x1], $0xffff  }
0xc0: {  	v15 =	vld.idx.msk [tilespmem:v16+s2+$0x6490 ss:$0x1], $0xffff  }
0xc1: {  	v17 =	vld.idx.msk [tilespmem:v16+s2+$0x6440 ss:$0x1], $0xffff  }
0xc2: {  	v18 =	vld.idx.msk [tilespmem:v16+s2+$0x6450 ss:$0x1], $0xffff  }
0xc3: {  	v23 =	vld.idx.msk [tilespmem:v16+s2+$0x6400 ss:$0x1], $0xffff  }
0xc4: {  	v19 =	vimm.f32 $0.0e+00;
	v24 =	vld.idx.msk [tilespmem:v16+s2+$0x6410 ss:$0x1], $0xffff  }
0xc5: {  	s1 =	smul.u32 $0x32, s26;
	s11 =	simm.s32 $0x500;
	v21 =	vimm.f32 $0.0e+00;
	v22 =	vimm.f32 $0.0e+00;
	v20 =	vimm.f32 $0.0e+00;
	v25 =	vld.idx.msk [tilespmem:v16+s2+$0x6420 ss:$0x1], $0xffff  }
.LBB2_16:
0xc6: {  	p0 =	sne.s32 s11, $0x2D00;
	v26 =	vld.idx.msk [tilespmem:v16+s2+$0x6430 ss:$0x1], $0xffff  }
0xc7: {  	v27 =	vld.idx.msk [tilespmem:v16+s2+$0x6460 ss:$0x1], $0xffff  }
0xc8: {  	v28 =	vld.idx.msk [tilespmem:v16+s2+$0x6470 ss:$0x1], $0xffff  }
0xc9: {  	v29 =	vld.idx.msk [tilespmem:v16+s2+$0x64A0 ss:$0x1], $0xffff  }
0xca: {  	v30 =	vld.idx.msk [tilespmem:v16+s2+$0x64B0 ss:$0x1], $0xffff  }
0xcb: {  	v19 =	vadd.f32 v23, v19;
	v21 =	vadd.f32 v24, v21;
	v23 =	vld.idx.msk [tilespmem:v16+s2+$0x64E0 ss:$0x1], $0xffff  }
0xcc: {  	v22 =	vadd.f32 v25, v22;
	v20 =	vadd.f32 v26, v20;
	v24 =	vld.idx.msk [tilespmem:v16+s2+$0x64F0 ss:$0x1], $0xffff  }
0xcd: {  	v17 =	vadd.f32 v17, v19;
	v18 =	vadd.f32 v18, v21;
	v25 =	vld.idx.msk [tilespmem:v16+s2+$0x6520 ss:$0x1], $0xffff  }
0xce: {  	v19 =	vadd.f32 v27, v22;
	v20 =	vadd.f32 v28, v20;
	v26 =	vld.idx.msk [tilespmem:v16+s2+$0x6530 ss:$0x1], $0xffff;
	s2 =	sshra.s32 s11, $0x2  }
0xcf: {  	v14 =	vadd.f32 v14, v17;
	v15 =	vadd.f32 v15, v18;
	v27 =	vld.idx.msk [tilespmem:v16+s2+$0x6500 ss:$0x1], $0xffff  }
0xd0: {  	v17 =	vadd.f32 v29, v19;
	v18 =	vadd.f32 v30, v20;
	v28 =	vld.idx.msk [tilespmem:v16+s2+$0x6510 ss:$0x1], $0xffff  }
0xd1: {  	v19 =	vadd.f32 v13, v14;
	v15 =	vadd.f32 v10, v15;
	v13 =	vld.idx.msk [tilespmem:v16+s2+$0x64C0 ss:$0x1], $0xffff  }
0xd2: {  	v17 =	vadd.f32 v23, v17;
	v18 =	vadd.f32 v24, v18;
	v10 =	vld.idx.msk [tilespmem:v16+s2+$0x64D0 ss:$0x1], $0xffff  }
0xd3: {  	v19 =	vadd.f32 v11, v19;
	v21 =	vadd.f32 v12, v15;
	v14 =	vld.idx.msk [tilespmem:v16+s2+$0x6480 ss:$0x1], $0xffff  }
0xd4: {  	v22 =	vadd.f32 v25, v17;
	v20 =	vadd.f32 v26, v18;
	v15 =	vld.idx.msk [tilespmem:v16+s2+$0x6490 ss:$0x1], $0xffff  }
.Ltmp6:
0xd5: {  	v11 =	vmov v27;
	v17 =	vld.idx.msk [tilespmem:v16+s2+$0x6440 ss:$0x1], $0xffff;
	(pc) =	sbr.rel @p0 .LBB2_16-.Ltmp6, $4  }
0xd6: {  	v12 =	vmov v28;
	v18 =	vld.idx.msk [tilespmem:v16+s2+$0x6450 ss:$0x1], $0xffff  }
0xd7: {  	v23 =	vld.idx.msk [tilespmem:v16+s2+$0x6400 ss:$0x1], $0xffff  }
0xd8: {  	v24 =	vld.idx.msk [tilespmem:v16+s2+$0x6410 ss:$0x1], $0xffff  }
0xd9: {  	s11 =	sadd.s32 $0x500, s11;
	v25 =	vld.idx.msk [tilespmem:v16+s2+$0x6420 ss:$0x1], $0xffff  }
0xda: {  	s11 =	sand.u32 $0x1FE, s1;
	v30 =	vld [tilespmem:s1+$0x81B2]  }
0xdb: {  	v27 =	vld [tilespmem:s11+$0x8190]  }
0xdc: {  	v28 =	vld [tilespmem:s11+$0x81A0]  }
0xdd: {  	v29 =	vld [tilespmem:s11+$0x81B0]  }
0xde: {  	v26 =	vld.idx.msk [tilespmem:v16+s2+$0x6430 ss:$0x1], $0xffff  }
0xdf: {  	v31 =	vld.idx.msk [tilespmem:v16+s2+$0x6460 ss:$0x1], $0xffff  }
0xe0: {  	v32 =	vld.idx.msk [tilespmem:v16+s2+$0x6470 ss:$0x1], $0xffff;
	vm1 =	veq.s32 v27, $0x0  }
0xe1: {  	v33 =	vld.idx.msk [tilespmem:v16+s2+$0x64A0 ss:$0x1], $0xffff;
	v34 =	vsel vm1, $0x1, v1;
	vm1 =	veq.s32 v28, $0x0  }
0xe2: {  	v41 =	vld.idx.msk [tilespmem:v16+s2+$0x64B0 ss:$0x1], $0xffff;
	vm2 =	veq.s32 v30, $0x0;
	v35 =	vsel vm1, $0x1, v1;
	vm1 =	veq.s32 v29, $0x0  }
0xe3: {  	v42 =	vld.idx.msk [tilespmem:v16+s2+$0x64E0 ss:$0x1], $0xffff;
	v29 =	vsel vm1, $0x1, v1;
	v34 =	vadd.s32 v34, v35;
	vm1 =	vmand vm2, vm0  }
0xe4: {  	v43 =	vld.idx.msk [tilespmem:v16+s2+$0x64F0 ss:$0x1], $0xffff;
	v29 =	vadd.s32 v29, v34;
	v45 =	vsel vm1, $0x1, v1  }
0xe5: {  	v44 =	vld.idx.msk [tilespmem:v16+s2+$0x6520 ss:$0x1], $0xffff;
	v29 =	vadd.s32 v45, v29  }
0xe6: {  	v46 =	vld.idx.msk [tilespmem:v16+s2+$0x6530 ss:$0x1], $0xffff;
	[tilespmem:$0x1CD60] =	vst v29  }
0xe7: {  	v47 =	vld.idx.msk [tilespmem:v2+s18+$0x0], $0xffff;
	_ =	sdelay $0x4  }
0xe8: {  	v29 =	vadd.s32 v47, v29  }
0xe9: {  	[tilespmem:$0x1CD60] =	vst v29  }
0xea: {  	v48 =	vld.idx.msk [tilespmem:v3+s18+$0x0], $0xffff;
	_ =	sdelay $0x4  }
0xeb: {  	v29 =	vadd.s32 v48, v29  }
0xec: {  	[tilespmem:$0x1CD60] =	vst v29  }
0xed: {  	v49 =	vld.idx.msk [tilespmem:v4+s18+$0x0], $0xffff  }
0xee: {  	s31 =	sadd.s32 s25, s26  }
0xef: {  	v36 =	vmov s31;
	_ =	sdelay $0x2  }
0xf0: {  	v29 =	vadd.s32 v49, v29  }
0xf1: {  	[tilespmem:$0x1CD60] =	vst v29  }
0xf2: {  	v50 =	vld.idx.msk [tilespmem:v36+s10+$0x0], $0xffff;
	_ =	sdelay $0x4  }
0xf3: {  	v19 =	vadd.f32 v23, v19;
	v51 =	vld.idx.msk [tilespmem:v5+s18+$0x0], $0xffff;
	v34 =	vcvt.s32.f32 v50  }
0xf4: {  	v21 =	vadd.f32 v24, v21  }
0xf5: {  	v22 =	vadd.f32 v25, v22;
	v17 =	vadd.f32 v17, v19;
	(erf) = vrcp.f32 v34  }
0xf6: {  	v52 =	vadd.f32 v26, v20;
	v18 =	vadd.f32 v18, v21  }
0xf7: {  	v53 =	vadd.f32 v31, v22;
	v14 =	vadd.f32 v14, v17  }
0xf8: {  	v54 =	vadd.f32 v32, v52;
	v15 =	vadd.f32 v15, v18;
	v55 =	vadd.s32 v29, v51  }
0xf9: {  	v56 =	vadd.f32 v33, v53;
	v13 =	vadd.f32 v13, v14;
	v57 =	vcvt.s32.f32 v55  }
0xfa: {  	v17 =	vadd.f32 v41, v54;
	v10 =	vadd.f32 v10, v15  }
0xfb: {  	v58 =	vadd.f32 v42, v56;
	v11 =	vadd.f32 v11, v13;
	v59 =	vmul.f32 v57, v6  }
0xfc: {  	v17 =	vadd.f32 v43, v17;
	v10 =	vadd.f32 v12, v10;
	v60 =	vmul.f32 v57, v7  }
0xfd: {  	v15 =	vadd.f32 v44, v58;
	v61 =	vmul.f32 v57, v8;
	v11 =	vsub.f32 v11, v59  }
0xfe: {  	s26 =	sadd.s32 $0x1, s26;
	v16 =	vadd.f32 v46, v17;
	v63 =	vmul.f32 v57, v9;
	v10 =	vsub.f32 v10, v60;
	v62 =	vpop (erf)  }
0xff: {  	s1 =	sshll.u32 s31, $0x6;
	p0 =	sne.s32 s26, $0x8;
	v13 =	vsub.f32 v15, v61;
	v11 =	vmul.f32 v11, v62  }
.Ltmp7:
0x100: {  	s1 =	sand.u32 $0x3FFFFFC0, s1;
	v12 =	vsub.f32 v16, v63;
	v10 =	vmul.f32 v10, v62;
	(pc) =	sbr.rel @p0 .LBB2_15-.Ltmp7, $4  }
0x101: {  	[tilespmem:s1+$0x14D60] =	vst v11;
	v11 =	vmul.f32 v13, v62  }
0x102: {  	[tilespmem:s1+$0x14D70] =	vst v10;
	v10 =	vmul.f32 v12, v62  }
0x103: {  	[tilespmem:s1+$0x14D80] =	vst v11  }
0x104: {  	s28 =	sadd.s32 $0xC80, s28;
	[tilespmem:s1+$0x14D90] =	vst v10  }
0x105: {  	s24 =	sadd.s32 $0x1, s24  }
0x106: {  	p0 =	sne.s32 s24, $0x20  }
.Ltmp8:
0x107: {  	_ = 	snop;
	(pc) =	sbr.rel @p0 .LBB2_4-.Ltmp8, $2  }
0x108: {  	_ =	sdelay $0x2  }
0x109: {  	s22 =	sadd.s32 $0x2, s22;
	s23 =	sadd.s32 $0x1, s23  }
0x10a: {  	s21 =	sadd.s32 $0x1, s21  }
0x10b: {  	p0 =	sne.s32 s21, s8  }
.Ltmp9:
0x10c: {  	_ = 	snop;
	(pc) =	sbr.rel @p0 .LBB2_1-.Ltmp9, $4  }
0x10d: {  	[hbm4b:s7+s0] =	stream.linear.scatter [tilespmem:s20], [sflag:$0x3], $0x8000, $0x38;
	[tilespmem:$0x1CD70] =	vst v63  }
0x10e: {  	_ =	swait.ge [sflag:s9], $0x8000  }
0x10f: {  	[sflag:s9] =	ssyncset.done $0x0  }
0x110: {  	[sflag:s9] =	ssyncadd.s32 $0xFFFF8000  }
0x111: {  	_ =	sfence.sel $0x180000  }
0x112: {  	[bflag:$0x0] =	sbarrier.arrive $0xFFFF  }
0x113: {  	_ =	strace $0x90000047  }
0x114: {  	s0 =	stileid.u32;
	[bflag:$0x2] =	sbarrier.arrive $0xFFFF  }
0x115: {  	p0 =	sne.s32 s0, $0x0;
	s0 =	rddreg [dreg:$0x4]  }
0x116: {  	s0 =	sadd.s32 @!p0 $0x100000, s0  }
0x117: {  	[sflag:s0] =	ssyncadd.tile.s32 @!p0 $0x1;
	_ =	shalt  }
.Lfunc_end2:
_tile_overlayer_lowered:
.L_overlay_start_2:
0x118: {  	(tag) =	ssettag $0x2  }
0x119: {  	s0 =	rddreg [dreg:$0x0];
	s2 =	stileid.u32  }
0x11a: {  	s1 =	rddreg [dreg:$0x1];
	p0 =	sne.s32 s2, $0x0  }
0x11b: {  	s3 =	rddreg [dreg:$0x2];
	[bflag:$0x3] =	sbarrier.arrive $0xFFFF;
	s2 =	simm.s32 @!p0 $0x1C03  }
0x11c: {  	[timem:s3], [sflag:s2] =	dma.local @!p0 [hbm:s0], s1  }
0x11d: {  	s0 =	simm.s32 @!p0 $0x3  }
0x11e: {  	_ =	swait.ge @!p0 [sflag:s0], s1  }
0x11f: {  	s1 =	ssub.s32 @!p0 $0x0, s1;
	[sflag:s0] =	ssyncset.done @!p0 $0x0  }
0x120: {  	[sflag:s0] =	ssyncadd.s32 @!p0 s1  }
0x121: {  	[bflag:$0x3] =	sbarrier.arrive $0xFFFF  }
0x122: {  	_ =	shalt  }

</sc_bundles>
